<compile_context>
chip_gen: v7x
topology: tpu7x:2x2x1
jax: 0.10.2.dev20260603
libtpu: 0.0.44.dev20260713+nightly
codegen_flags: <defaults>
</compile_context>

<pallas_src>
import functools

import jax
import jax.numpy as jnp
from jax import lax
from jax.experimental import pallas as pl
from jax.experimental.pallas import tpu as pltpu, tpu_sc as plsc

S, C, L, T, B = 10, 100, 4, 6, 16384
TABLE_N = S * C * L * T

_info = plsc.get_sparse_core_info()
_NC, _NS, _LANES = _info.num_cores, _info.num_subcores, _info.num_lanes
_NW = _NC * _NS
_BPW = B // _NW
_STEPS = _BPW // _LANES

_mesh = plsc.VectorSubcoreMesh(core_axis_name="c", subcore_axis_name="s")


@functools.partial(
    pl.kernel,
    mesh=_mesh,
    out_type=jax.ShapeDtypeStruct((B,), jnp.float32),
    compiler_params=pltpu.CompilerParams(
        needs_layout_passes=False, use_tc_tiling_on_sc=False),
    scratch_types=[
        pltpu.VMEM((_BPW,), jnp.int32),
        pltpu.VMEM((_BPW,), jnp.int32),
        pltpu.VMEM((_BPW,), jnp.int32),
        pltpu.VMEM((_BPW,), jnp.int32),
        pltpu.VMEM((_BPW,), jnp.int32),
        pltpu.VMEM((_BPW,), jnp.float32),
        pltpu.SemaphoreType.DMA,
        pltpu.SemaphoreType.DMA,
        pltpu.SemaphoreType.DMA,
    ],
)
def _balancer_gather(table_hbm, src_hbm, cnt_hbm, lab_hbm, vt_hbm, out_hbm,
                     src_v, cnt_v, lab_v, vt_v, lin_v, out_v, sem, gsem0,
                     gsem1):
    wid = lax.axis_index("s") * _NC + lax.axis_index("c")
    base = wid * _BPW

    sl_in = pl.ds(base, _BPW)
    copies = [
        pltpu.async_copy(src_hbm.at[sl_in], src_v, sem),
        pltpu.async_copy(cnt_hbm.at[sl_in], cnt_v, sem),
        pltpu.async_copy(lab_hbm.at[sl_in], lab_v, sem),
        pltpu.async_copy(vt_hbm.at[sl_in], vt_v, sem),
    ]
    for cp in copies:
        cp.wait()

    half = _BPW // 2
    gsems = (gsem0, gsem1)
    gathers = []
    for h in range(2):
        for i in range(_STEPS // 2):
            sl = pl.ds(h * half + i * _LANES, _LANES)
            lin_v[sl] = (src_v[sl] * (C * L * T) + cnt_v[sl] * (L * T)
                         + lab_v[sl] * T + vt_v[sl])
        gathers.append(pltpu.async_copy(
            table_hbm.at[lin_v.at[pl.ds(h * half, half)]],
            out_v.at[pl.ds(h * half, half)], gsems[h]))

    outs = []
    for h in range(2):
        gathers[h].wait()
        outs.append(pltpu.async_copy(
            out_v.at[pl.ds(h * half, half)],
            out_hbm.at[pl.ds(base + h * half, half)], sem))
    for cp in outs:
        cp.wait()


def kernel(label_balancing_weights_sclt, sources, alt_counts, labels, variant_types):
    table = label_balancing_weights_sclt.reshape(-1)
    return _balancer_gather(table, sources, alt_counts, labels, variant_types)

# --- scband reference (transcript-rebuilt; emitter-appended) ---
"""Pipeline reference for scband-balancer-77610059038835 (READ-ONLY COPY).

The authoritative reference and input builder live on the scoring server;
editing this copy changes nothing except your own understanding.
"""

import jax, jax.numpy as jnp
import numpy as np

S, C, L, T, B = 10, 100, 4, 6, 16384

def setup_inputs(seed: int = 0) -> dict:
    key = jax.random.key(seed)
    k1, k2, k3, k4, k5 = jax.random.split(key, 5)
    return {
        "label_balancing_weights_sclt": jax.random.normal(k1, (S, C, L, T), dtype=jnp.float32),
        "sources": jax.random.randint(k2, (B,), 0, S, dtype=jnp.int32),
        "alt_counts": jax.random.randint(k3, (B,), 0, C, dtype=jnp.int32),
        "labels": jax.random.randint(k4, (B,), 0, L, dtype=jnp.int32),
        "variant_types": jax.random.randint(k5, (B,), 0, T, dtype=jnp.int32),
    }

def reference(label_balancing_weights_sclt, sources, alt_counts, labels, variant_types):
    # Balancer.calculate_batch_weights: index_4d_array is a vectorized 4-D gather
    # weights[b] = table[sources[b], alt_counts[b], labels[b], variant_types[b]]
    return label_balancing_weights_sclt[sources, alt_counts, labels, variant_types]

if __name__ == "__main__":
    import jax
    _d = setup_inputs()
    print(jax.jit(kernel)(*tuple(_d.values())))

</pallas_src>

<mosaic_0001>
#map = affine_map<(d0, d1) -> (0)>
module attributes {stable_mosaic.version = 14 : i64} {
  func.func @_balancer_gather(%arg0: i32, %arg1: i32, %arg2: memref<24000xf32, #tpu.memory_space<hbm>>, %arg3: memref<16384xi32, #tpu.memory_space<hbm>>, %arg4: memref<16384xi32, #tpu.memory_space<hbm>>, %arg5: memref<16384xi32, #tpu.memory_space<hbm>>, %arg6: memref<16384xi32, #tpu.memory_space<hbm>>, %arg7: memref<16384xf32, #tpu.memory_space<hbm>>, %arg8: memref<512xi32, #tpu.memory_space<vmem>>, %arg9: memref<512xi32, #tpu.memory_space<vmem>>, %arg10: memref<512xi32, #tpu.memory_space<vmem>>, %arg11: memref<512xi32, #tpu.memory_space<vmem>>, %arg12: memref<512xi32, #tpu.memory_space<vmem>>, %arg13: memref<512xf32, #tpu.memory_space<vmem>>, %arg14: memref<!tpu.dma_semaphore, #tpu.memory_space<semaphore_mem>>, %arg15: memref<!tpu.dma_semaphore, #tpu.memory_space<semaphore_mem>>, %arg16: memref<!tpu.dma_semaphore, #tpu.memory_space<semaphore_mem>>) attributes {dimension_semantics = [#tpu.dimension_semantics<core_parallel>, #tpu.dimension_semantics<subcore_parallel>], iteration_bounds = array<i64: 2, 16>, scalar_prefetch = 0 : i64, scratch_operands = 9 : i64, tpu.core_type = #tpu.core_type<sc_vector_subcore>, window_params = [{transform_indices = #map}, {transform_indices = #map}, {transform_indices = #map}, {transform_indices = #map}, {transform_indices = #map}, {transform_indices = #map}]} {
    %mul3A = arith.constant 2 : i32
    %mul3A_0 = arith.muli %arg1, %mul3A : i32
    %add3A = arith.addi %mul3A_0, %arg0 : i32
    %mul3A_1 = arith.constant 512 : i32
    %mul3A_2 = arith.muli %add3A, %mul3A_1 : i32
    %dma_start3A = tpu.memref_slice %arg3[%mul3A_2] : memref<16384xi32, #tpu.memory_space<hbm>> -> memref<512xi32, #tpu.memory_space<hbm>>
    %dma_start3A_3 = tpu.memref_slice %arg3[%mul3A_2] : memref<16384xi32, #tpu.memory_space<hbm>> -> memref<512xi32, #tpu.memory_space<hbm>>
    tpu.enqueue_dma source(%dma_start3A_3 : memref<512xi32, #tpu.memory_space<hbm>>) target(%arg8 : memref<512xi32, #tpu.memory_space<vmem>>) target_semaphore(%arg14 : memref<!tpu.dma_semaphore, #tpu.memory_space<semaphore_mem>>)
    %dma_start3A_4 = tpu.memref_slice %arg4[%mul3A_2] : memref<16384xi32, #tpu.memory_space<hbm>> -> memref<512xi32, #tpu.memory_space<hbm>>
    %dma_start3A_5 = tpu.memref_slice %arg4[%mul3A_2] : memref<16384xi32, #tpu.memory_space<hbm>> -> memref<512xi32, #tpu.memory_space<hbm>>
    tpu.enqueue_dma source(%dma_start3A_5 : memref<512xi32, #tpu.memory_space<hbm>>) target(%arg9 : memref<512xi32, #tpu.memory_space<vmem>>) target_semaphore(%arg14 : memref<!tpu.dma_semaphore, #tpu.memory_space<semaphore_mem>>)
    %dma_start3A_6 = tpu.memref_slice %arg5[%mul3A_2] : memref<16384xi32, #tpu.memory_space<hbm>> -> memref<512xi32, #tpu.memory_space<hbm>>
    %dma_start3A_7 = tpu.memref_slice %arg5[%mul3A_2] : memref<16384xi32, #tpu.memory_space<hbm>> -> memref<512xi32, #tpu.memory_space<hbm>>
    tpu.enqueue_dma source(%dma_start3A_7 : memref<512xi32, #tpu.memory_space<hbm>>) target(%arg10 : memref<512xi32, #tpu.memory_space<vmem>>) target_semaphore(%arg14 : memref<!tpu.dma_semaphore, #tpu.memory_space<semaphore_mem>>)
    %dma_start3A_8 = tpu.memref_slice %arg6[%mul3A_2] : memref<16384xi32, #tpu.memory_space<hbm>> -> memref<512xi32, #tpu.memory_space<hbm>>
    %dma_start3A_9 = tpu.memref_slice %arg6[%mul3A_2] : memref<16384xi32, #tpu.memory_space<hbm>> -> memref<512xi32, #tpu.memory_space<hbm>>
    tpu.enqueue_dma source(%dma_start3A_9 : memref<512xi32, #tpu.memory_space<hbm>>) target(%arg11 : memref<512xi32, #tpu.memory_space<vmem>>) target_semaphore(%arg14 : memref<!tpu.dma_semaphore, #tpu.memory_space<semaphore_mem>>)
    %dma_wait3A = tpu.memref_slice %arg3[%mul3A_2] : memref<16384xi32, #tpu.memory_space<hbm>> -> memref<512xi32, #tpu.memory_space<hbm>>
    %dma_wait3A_10 = tpu.memref_slice %arg3[%mul3A_2] : memref<16384xi32, #tpu.memory_space<hbm>> -> memref<512xi32, #tpu.memory_space<hbm>>
    tpu.wait_dma2 semaphore(%arg14 : memref<!tpu.dma_semaphore, #tpu.memory_space<semaphore_mem>>) src(%dma_wait3A_10 : memref<512xi32, #tpu.memory_space<hbm>>) dst(%arg8 : memref<512xi32, #tpu.memory_space<vmem>>)
    %dma_wait3A_11 = tpu.memref_slice %arg4[%mul3A_2] : memref<16384xi32, #tpu.memory_space<hbm>> -> memref<512xi32, #tpu.memory_space<hbm>>
    %dma_wait3A_12 = tpu.memref_slice %arg4[%mul3A_2] : memref<16384xi32, #tpu.memory_space<hbm>> -> memref<512xi32, #tpu.memory_space<hbm>>
    tpu.wait_dma2 semaphore(%arg14 : memref<!tpu.dma_semaphore, #tpu.memory_space<semaphore_mem>>) src(%dma_wait3A_12 : memref<512xi32, #tpu.memory_space<hbm>>) dst(%arg9 : memref<512xi32, #tpu.memory_space<vmem>>)
    %dma_wait3A_13 = tpu.memref_slice %arg5[%mul3A_2] : memref<16384xi32, #tpu.memory_space<hbm>> -> memref<512xi32, #tpu.memory_space<hbm>>
    %dma_wait3A_14 = tpu.memref_slice %arg5[%mul3A_2] : memref<16384xi32, #tpu.memory_space<hbm>> -> memref<512xi32, #tpu.memory_space<hbm>>
    tpu.wait_dma2 semaphore(%arg14 : memref<!tpu.dma_semaphore, #tpu.memory_space<semaphore_mem>>) src(%dma_wait3A_14 : memref<512xi32, #tpu.memory_space<hbm>>) dst(%arg10 : memref<512xi32, #tpu.memory_space<vmem>>)
    %dma_wait3A_15 = tpu.memref_slice %arg6[%mul3A_2] : memref<16384xi32, #tpu.memory_space<hbm>> -> memref<512xi32, #tpu.memory_space<hbm>>
    %dma_wait3A_16 = tpu.memref_slice %arg6[%mul3A_2] : memref<16384xi32, #tpu.memory_space<hbm>> -> memref<512xi32, #tpu.memory_space<hbm>>
    tpu.wait_dma2 semaphore(%arg14 : memref<!tpu.dma_semaphore, #tpu.memory_space<semaphore_mem>>) src(%dma_wait3A_16 : memref<512xi32, #tpu.memory_space<hbm>>) dst(%arg11 : memref<512xi32, #tpu.memory_space<vmem>>)
    %get3A = arith.constant 0 : index
    %get3A_17 = tpu.vector_load %arg8[%get3A] {strides = array<i32>} : memref<512xi32, #tpu.memory_space<vmem>>, vector<16xi32>,
    %mul3A_18 = arith.constant 2400 : i32
    %mul3A_19 = vector.broadcast %mul3A_18 : i32 to vector<16xi32>
    %mul3A_20 = arith.muli %get3A_17, %mul3A_19 : vector<16xi32>
    %get3A_21 = arith.constant 0 : index
    %get3A_22 = tpu.vector_load %arg9[%get3A_21] {strides = array<i32>} : memref<512xi32, #tpu.memory_space<vmem>>, vector<16xi32>,
    %mul3A_23 = arith.constant 24 : i32
    %mul3A_24 = vector.broadcast %mul3A_23 : i32 to vector<16xi32>
    %mul3A_25 = arith.muli %get3A_22, %mul3A_24 : vector<16xi32>
    %add3A_26 = arith.addi %mul3A_20, %mul3A_25 : vector<16xi32>
    %get3A_27 = arith.constant 0 : index
    %get3A_28 = tpu.vector_load %arg10[%get3A_27] {strides = array<i32>} : memref<512xi32, #tpu.memory_space<vmem>>, vector<16xi32>,
    %mul3A_29 = arith.constant 6 : i32
    %mul3A_30 = vector.broadcast %mul3A_29 : i32 to vector<16xi32>
    %mul3A_31 = arith.muli %get3A_28, %mul3A_30 : vector<16xi32>
    %add3A_32 = arith.addi %add3A_26, %mul3A_31 : vector<16xi32>
    %get3A_33 = arith.constant 0 : index
    %get3A_34 = tpu.vector_load %arg11[%get3A_33] {strides = array<i32>} : memref<512xi32, #tpu.memory_space<vmem>>, vector<16xi32>,
    %add3A_35 = arith.addi %add3A_32, %get3A_34 : vector<16xi32>
    %swap3A = arith.constant 0 : index
    %swap3A_36 = tpu.vector_load %arg12[%swap3A] {strides = array<i32>} : memref<512xi32, #tpu.memory_space<vmem>>, vector<16xi32>,
    tpu.vector_store %arg12[%swap3A], %add3A_35 {strides = array<i32>} : memref<512xi32, #tpu.memory_space<vmem>>, vector<16xi32>,
    %get3A_37 = arith.constant 16 : index
    %get3A_38 = tpu.vector_load %arg8[%get3A_37] {strides = array<i32>} : memref<512xi32, #tpu.memory_space<vmem>>, vector<16xi32>,
    %mul3A_39 = arith.constant 2400 : i32
    %mul3A_40 = vector.broadcast %mul3A_39 : i32 to vector<16xi32>
    %mul3A_41 = arith.muli %get3A_38, %mul3A_40 : vector<16xi32>
    %get3A_42 = arith.constant 16 : index
    %get3A_43 = tpu.vector_load %arg9[%get3A_42] {strides = array<i32>} : memref<512xi32, #tpu.memory_space<vmem>>, vector<16xi32>,
    %mul3A_44 = arith.constant 24 : i32
    %mul3A_45 = vector.broadcast %mul3A_44 : i32 to vector<16xi32>
    %mul3A_46 = arith.muli %get3A_43, %mul3A_45 : vector<16xi32>
    %add3A_47 = arith.addi %mul3A_41, %mul3A_46 : vector<16xi32>
    %get3A_48 = arith.constant 16 : index
    %get3A_49 = tpu.vector_load %arg10[%get3A_48] {strides = array<i32>} : memref<512xi32, #tpu.memory_space<vmem>>, vector<16xi32>,
    %mul3A_50 = arith.constant 6 : i32
    %mul3A_51 = vector.broadcast %mul3A_50 : i32 to vector<16xi32>
    %mul3A_52 = arith.muli %get3A_49, %mul3A_51 : vector<16xi32>
    %add3A_53 = arith.addi %add3A_47, %mul3A_52 : vector<16xi32>
    %get3A_54 = arith.constant 16 : index
    %get3A_55 = tpu.vector_load %arg11[%get3A_54] {strides = array<i32>} : memref<512xi32, #tpu.memory_space<vmem>>, vector<16xi32>,
    %add3A_56 = arith.addi %add3A_53, %get3A_55 : vector<16xi32>
    %swap3A_57 = arith.constant 16 : index
    %swap3A_58 = tpu.vector_load %arg12[%swap3A_57] {strides = array<i32>} : memref<512xi32, #tpu.memory_space<vmem>>, vector<16xi32>,
    tpu.vector_store %arg12[%swap3A_57], %add3A_56 {strides = array<i32>} : memref<512xi32, #tpu.memory_space<vmem>>, vector<16xi32>,
    %get3A_59 = arith.constant 32 : index
    %get3A_60 = tpu.vector_load %arg8[%get3A_59] {strides = array<i32>} : memref<512xi32, #tpu.memory_space<vmem>>, vector<16xi32>,
    %mul3A_61 = arith.constant 2400 : i32
    %mul3A_62 = vector.broadcast %mul3A_61 : i32 to vector<16xi32>
    %mul3A_63 = arith.muli %get3A_60, %mul3A_62 : vector<16xi32>
    %get3A_64 = arith.constant 32 : index
    %get3A_65 = tpu.vector_load %arg9[%get3A_64] {strides = array<i32>} : memref<512xi32, #tpu.memory_space<vmem>>, vector<16xi32>,
    %mul3A_66 = arith.constant 24 : i32
    %mul3A_67 = vector.broadcast %mul3A_66 : i32 to vector<16xi32>
    %mul3A_68 = arith.muli %get3A_65, %mul3A_67 : vector<16xi32>
    %add3A_69 = arith.addi %mul3A_63, %mul3A_68 : vector<16xi32>
    %get3A_70 = arith.constant 32 : index
    %get3A_71 = tpu.vector_load %arg10[%get3A_70] {strides = array<i32>} : memref<512xi32, #tpu.memory_space<vmem>>, vector<16xi32>,
    %mul3A_72 = arith.constant 6 : i32
    %mul3A_73 = vector.broadcast %mul3A_72 : i32 to vector<16xi32>
    %mul3A_74 = arith.muli %get3A_71, %mul3A_73 : vector<16xi32>
    %add3A_75 = arith.addi %add3A_69, %mul3A_74 : vector<16xi32>
    %get3A_76 = arith.constant 32 : index
    %get3A_77 = tpu.vector_load %arg11[%get3A_76] {strides = array<i32>} : memref<512xi32, #tpu.memory_space<vmem>>, vector<16xi32>,
    %add3A_78 = arith.addi %add3A_75, %get3A_77 : vector<16xi32>
    %swap3A_79 = arith.constant 32 : index
    %swap3A_80 = tpu.vector_load %arg12[%swap3A_79] {strides = array<i32>} : memref<512xi32, #tpu.memory_space<vmem>>, vector<16xi32>,
    tpu.vector_store %arg12[%swap3A_79], %add3A_78 {strides = array<i32>} : memref<512xi32, #tpu.memory_space<vmem>>, vector<16xi32>,
    %get3A_81 = arith.constant 48 : index
    %get3A_82 = tpu.vector_load %arg8[%get3A_81] {strides = array<i32>} : memref<512xi32, #tpu.memory_space<vmem>>, vector<16xi32>,
    %mul3A_83 = arith.constant 2400 : i32
    %mul3A_84 = vector.broadcast %mul3A_83 : i32 to vector<16xi32>
    %mul3A_85 = arith.muli %get3A_82, %mul3A_84 : vector<16xi32>
    %get3A_86 = arith.constant 48 : index
    %get3A_87 = tpu.vector_load %arg9[%get3A_86] {strides = array<i32>} : memref<512xi32, #tpu.memory_space<vmem>>, vector<16xi32>,
    %mul3A_88 = arith.constant 24 : i32
    %mul3A_89 = vector.broadcast %mul3A_88 : i32 to vector<16xi32>
    %mul3A_90 = arith.muli %get3A_87, %mul3A_89 : vector<16xi32>
    %add3A_91 = arith.addi %mul3A_85, %mul3A_90 : vector<16xi32>
    %get3A_92 = arith.constant 48 : index
    %get3A_93 = tpu.vector_load %arg10[%get3A_92] {strides = array<i32>} : memref<512xi32, #tpu.memory_space<vmem>>, vector<16xi32>,
    %mul3A_94 = arith.constant 6 : i32
    %mul3A_95 = vector.broadcast %mul3A_94 : i32 to vector<16xi32>
    %mul3A_96 = arith.muli %get3A_93, %mul3A_95 : vector<16xi32>
    %add3A_97 = arith.addi %add3A_91, %mul3A_96 : vector<16xi32>
    %get3A_98 = arith.constant 48 : index
    %get3A_99 = tpu.vector_load %arg11[%get3A_98] {strides = array<i32>} : memref<512xi32, #tpu.memory_space<vmem>>, vector<16xi32>,
    %add3A_100 = arith.addi %add3A_97, %get3A_99 : vector<16xi32>
    %swap3A_101 = arith.constant 48 : index
    %swap3A_102 = tpu.vector_load %arg12[%swap3A_101] {strides = array<i32>} : memref<512xi32, #tpu.memory_space<vmem>>, vector<16xi32>,
    tpu.vector_store %arg12[%swap3A_101], %add3A_100 {strides = array<i32>} : memref<512xi32, #tpu.memory_space<vmem>>, vector<16xi32>,
    %get3A_103 = arith.constant 64 : index
    %get3A_104 = tpu.vector_load %arg8[%get3A_103] {strides = array<i32>} : memref<512xi32, #tpu.memory_space<vmem>>, vector<16xi32>,
    %mul3A_105 = arith.constant 2400 : i32
    %mul3A_106 = vector.broadcast %mul3A_105 : i32 to vector<16xi32>
    %mul3A_107 = arith.muli %get3A_104, %mul3A_106 : vector<16xi32>
    %get3A_108 = arith.constant 64 : index
    %get3A_109 = tpu.vector_load %arg9[%get3A_108] {strides = array<i32>} : memref<512xi32, #tpu.memory_space<vmem>>, vector<16xi32>,
    %mul3A_110 = arith.constant 24 : i32
    %mul3A_111 = vector.broadcast %mul3A_110 : i32 to vector<16xi32>
    %mul3A_112 = arith.muli %get3A_109, %mul3A_111 : vector<16xi32>
    %add3A_113 = arith.addi %mul3A_107, %mul3A_112 : vector<16xi32>
    %get3A_114 = arith.constant 64 : index
    %get3A_115 = tpu.vector_load %arg10[%get3A_114] {strides = array<i32>} : memref<512xi32, #tpu.memory_space<vmem>>, vector<16xi32>,
    %mul3A_116 = arith.constant 6 : i32
    %mul3A_117 = vector.broadcast %mul3A_116 : i32 to vector<16xi32>
    %mul3A_118 = arith.muli %get3A_115, %mul3A_117 : vector<16xi32>
    %add3A_119 = arith.addi %add3A_113, %mul3A_118 : vector<16xi32>
    %get3A_120 = arith.constant 64 : index
    %get3A_121 = tpu.vector_load %arg11[%get3A_120] {strides = array<i32>} : memref<512xi32, #tpu.memory_space<vmem>>, vector<16xi32>,
    %add3A_122 = arith.addi %add3A_119, %get3A_121 : vector<16xi32>
    %swap3A_123 = arith.constant 64 : index
    %swap3A_124 = tpu.vector_load %arg12[%swap3A_123] {strides = array<i32>} : memref<512xi32, #tpu.memory_space<vmem>>, vector<16xi32>,
    tpu.vector_store %arg12[%swap3A_123], %add3A_122 {strides = array<i32>} : memref<512xi32, #tpu.memory_space<vmem>>, vector<16xi32>,
    %get3A_125 = arith.constant 80 : index
    %get3A_126 = tpu.vector_load %arg8[%get3A_125] {strides = array<i32>} : memref<512xi32, #tpu.memory_space<vmem>>, vector<16xi32>,
    %mul3A_127 = arith.constant 2400 : i32
    %mul3A_128 = vector.broadcast %mul3A_127 : i32 to vector<16xi32>
    %mul3A_129 = arith.muli %get3A_126, %mul3A_128 : vector<16xi32>
    %get3A_130 = arith.constant 80 : index
    %get3A_131 = tpu.vector_load %arg9[%get3A_130] {strides = array<i32>} : memref<512xi32, #tpu.memory_space<vmem>>, vector<16xi32>,
    %mul3A_132 = arith.constant 24 : i32
    %mul3A_133 = vector.broadcast %mul3A_132 : i32 to vector<16xi32>
    %mul3A_134 = arith.muli %get3A_131, %mul3A_133 : vector<16xi32>
    %add3A_135 = arith.addi %mul3A_129, %mul3A_134 : vector<16xi32>
    %get3A_136 = arith.constant 80 : index
    %get3A_137 = tpu.vector_load %arg10[%get3A_136] {strides = array<i32>} : memref<512xi32, #tpu.memory_space<vmem>>, vector<16xi32>,
    %mul3A_138 = arith.constant 6 : i32
    %mul3A_139 = vector.broadcast %mul3A_138 : i32 to vector<16xi32>
    %mul3A_140 = arith.muli %get3A_137, %mul3A_139 : vector<16xi32>
    %add3A_141 = arith.addi %add3A_135, %mul3A_140 : vector<16xi32>
    %get3A_142 = arith.constant 80 : index
    %get3A_143 = tpu.vector_load %arg11[%get3A_142] {strides = array<i32>} : memref<512xi32, #tpu.memory_space<vmem>>, vector<16xi32>,
    %add3A_144 = arith.addi %add3A_141, %get3A_143 : vector<16xi32>
    %swap3A_145 = arith.constant 80 : index
    %swap3A_146 = tpu.vector_load %arg12[%swap3A_145] {strides = array<i32>} : memref<512xi32, #tpu.memory_space<vmem>>, vector<16xi32>,
    tpu.vector_store %arg12[%swap3A_145], %add3A_144 {strides = array<i32>} : memref<512xi32, #tpu.memory_space<vmem>>, vector<16xi32>,
    %get3A_147 = arith.constant 96 : index
    %get3A_148 = tpu.vector_load %arg8[%get3A_147] {strides = array<i32>} : memref<512xi32, #tpu.memory_space<vmem>>, vector<16xi32>,
    %mul3A_149 = arith.constant 2400 : i32
    %mul3A_150 = vector.broadcast %mul3A_149 : i32 to vector<16xi32>
    %mul3A_151 = arith.muli %get3A_148, %mul3A_150 : vector<16xi32>
    %get3A_152 = arith.constant 96 : index
    %get3A_153 = tpu.vector_load %arg9[%get3A_152] {strides = array<i32>} : memref<512xi32, #tpu.memory_space<vmem>>, vector<16xi32>,
    %mul3A_154 = arith.constant 24 : i32
    %mul3A_155 = vector.broadcast %mul3A_154 : i32 to vector<16xi32>
    %mul3A_156 = arith.muli %get3A_153, %mul3A_155 : vector<16xi32>
    %add3A_157 = arith.addi %mul3A_151, %mul3A_156 : vector<16xi32>
    %get3A_158 = arith.constant 96 : index
    %get3A_159 = tpu.vector_load %arg10[%get3A_158] {strides = array<i32>} : memref<512xi32, #tpu.memory_space<vmem>>, vector<16xi32>,
    %mul3A_160 = arith.constant 6 : i32
    %mul3A_161 = vector.broadcast %mul3A_160 : i32 to vector<16xi32>
    %mul3A_162 = arith.muli %get3A_159, %mul3A_161 : vector<16xi32>
    %add3A_163 = arith.addi %add3A_157, %mul3A_162 : vector<16xi32>
    %get3A_164 = arith.constant 96 : index
    %get3A_165 = tpu.vector_load %arg11[%get3A_164] {strides = array<i32>} : memref<512xi32, #tpu.memory_space<vmem>>, vector<16xi32>,
    %add3A_166 = arith.addi %add3A_163, %get3A_165 : vector<16xi32>
    %swap3A_167 = arith.constant 96 : index
    %swap3A_168 = tpu.vector_load %arg12[%swap3A_167] {strides = array<i32>} : memref<512xi32, #tpu.memory_space<vmem>>, vector<16xi32>,
    tpu.vector_store %arg12[%swap3A_167], %add3A_166 {strides = array<i32>} : memref<512xi32, #tpu.memory_space<vmem>>, vector<16xi32>,
    %get3A_169 = arith.constant 112 : index
    %get3A_170 = tpu.vector_load %arg8[%get3A_169] {strides = array<i32>} : memref<512xi32, #tpu.memory_space<vmem>>, vector<16xi32>,
    %mul3A_171 = arith.constant 2400 : i32
    %mul3A_172 = vector.broadcast %mul3A_171 : i32 to vector<16xi32>
    %mul3A_173 = arith.muli %get3A_170, %mul3A_172 : vector<16xi32>
    %get3A_174 = arith.constant 112 : index
    %get3A_175 = tpu.vector_load %arg9[%get3A_174] {strides = array<i32>} : memref<512xi32, #tpu.memory_space<vmem>>, vector<16xi32>,
    %mul3A_176 = arith.constant 24 : i32
    %mul3A_177 = vector.broadcast %mul3A_176 : i32 to vector<16xi32>
    %mul3A_178 = arith.muli %get3A_175, %mul3A_177 : vector<16xi32>
    %add3A_179 = arith.addi %mul3A_173, %mul3A_178 : vector<16xi32>
    %get3A_180 = arith.constant 112 : index
    %get3A_181 = tpu.vector_load %arg10[%get3A_180] {strides = array<i32>} : memref<512xi32, #tpu.memory_space<vmem>>, vector<16xi32>,
    %mul3A_182 = arith.constant 6 : i32
    %mul3A_183 = vector.broadcast %mul3A_182 : i32 to vector<16xi32>
    %mul3A_184 = arith.muli %get3A_181, %mul3A_183 : vector<16xi32>
    %add3A_185 = arith.addi %add3A_179, %mul3A_184 : vector<16xi32>
    %get3A_186 = arith.constant 112 : index
    %get3A_187 = tpu.vector_load %arg11[%get3A_186] {strides = array<i32>} : memref<512xi32, #tpu.memory_space<vmem>>, vector<16xi32>,
    %add3A_188 = arith.addi %add3A_185, %get3A_187 : vector<16xi32>
    %swap3A_189 = arith.constant 112 : index
    %swap3A_190 = tpu.vector_load %arg12[%swap3A_189] {strides = array<i32>} : memref<512xi32, #tpu.memory_space<vmem>>, vector<16xi32>,
    tpu.vector_store %arg12[%swap3A_189], %add3A_188 {strides = array<i32>} : memref<512xi32, #tpu.memory_space<vmem>>, vector<16xi32>,
    %get3A_191 = arith.constant 128 : index
    %get3A_192 = tpu.vector_load %arg8[%get3A_191] {strides = array<i32>} : memref<512xi32, #tpu.memory_space<vmem>>, vector<16xi32>,
    %mul3A_193 = arith.constant 2400 : i32
    %mul3A_194 = vector.broadcast %mul3A_193 : i32 to vector<16xi32>
    %mul3A_195 = arith.muli %get3A_192, %mul3A_194 : vector<16xi32>
    %get3A_196 = arith.constant 128 : index
    %get3A_197 = tpu.vector_load %arg9[%get3A_196] {strides = array<i32>} : memref<512xi32, #tpu.memory_space<vmem>>, vector<16xi32>,
    %mul3A_198 = arith.constant 24 : i32
    %mul3A_199 = vector.broadcast %mul3A_198 : i32 to vector<16xi32>
    %mul3A_200 = arith.muli %get3A_197, %mul3A_199 : vector<16xi32>
    %add3A_201 = arith.addi %mul3A_195, %mul3A_200 : vector<16xi32>
    %get3A_202 = arith.constant 128 : index
    %get3A_203 = tpu.vector_load %arg10[%get3A_202] {strides = array<i32>} : memref<512xi32, #tpu.memory_space<vmem>>, vector<16xi32>,
    %mul3A_204 = arith.constant 6 : i32
    %mul3A_205 = vector.broadcast %mul3A_204 : i32 to vector<16xi32>
    %mul3A_206 = arith.muli %get3A_203, %mul3A_205 : vector<16xi32>
    %add3A_207 = arith.addi %add3A_201, %mul3A_206 : vector<16xi32>
    %get3A_208 = arith.constant 128 : index
    %get3A_209 = tpu.vector_load %arg11[%get3A_208] {strides = array<i32>} : memref<512xi32, #tpu.memory_space<vmem>>, vector<16xi32>,
    %add3A_210 = arith.addi %add3A_207, %get3A_209 : vector<16xi32>
    %swap3A_211 = arith.constant 128 : index
    %swap3A_212 = tpu.vector_load %arg12[%swap3A_211] {strides = array<i32>} : memref<512xi32, #tpu.memory_space<vmem>>, vector<16xi32>,
    tpu.vector_store %arg12[%swap3A_211], %add3A_210 {strides = array<i32>} : memref<512xi32, #tpu.memory_space<vmem>>, vector<16xi32>,
    %get3A_213 = arith.constant 144 : index
    %get3A_214 = tpu.vector_load %arg8[%get3A_213] {strides = array<i32>} : memref<512xi32, #tpu.memory_space<vmem>>, vector<16xi32>,
    %mul3A_215 = arith.constant 2400 : i32
    %mul3A_216 = vector.broadcast %mul3A_215 : i32 to vector<16xi32>
    %mul3A_217 = arith.muli %get3A_214, %mul3A_216 : vector<16xi32>
    %get3A_218 = arith.constant 144 : index
    %get3A_219 = tpu.vector_load %arg9[%get3A_218] {strides = array<i32>} : memref<512xi32, #tpu.memory_space<vmem>>, vector<16xi32>,
    %mul3A_220 = arith.constant 24 : i32
    %mul3A_221 = vector.broadcast %mul3A_220 : i32 to vector<16xi32>
    %mul3A_222 = arith.muli %get3A_219, %mul3A_221 : vector<16xi32>
    %add3A_223 = arith.addi %mul3A_217, %mul3A_222 : vector<16xi32>
    %get3A_224 = arith.constant 144 : index
    %get3A_225 = tpu.vector_load %arg10[%get3A_224] {strides = array<i32>} : memref<512xi32, #tpu.memory_space<vmem>>, vector<16xi32>,
    %mul3A_226 = arith.constant 6 : i32
    %mul3A_227 = vector.broadcast %mul3A_226 : i32 to vector<16xi32>
    %mul3A_228 = arith.muli %get3A_225, %mul3A_227 : vector<16xi32>
    %add3A_229 = arith.addi %add3A_223, %mul3A_228 : vector<16xi32>
    %get3A_230 = arith.constant 144 : index
    %get3A_231 = tpu.vector_load %arg11[%get3A_230] {strides = array<i32>} : memref<512xi32, #tpu.memory_space<vmem>>, vector<16xi32>,
    %add3A_232 = arith.addi %add3A_229, %get3A_231 : vector<16xi32>
    %swap3A_233 = arith.constant 144 : index
    %swap3A_234 = tpu.vector_load %arg12[%swap3A_233] {strides = array<i32>} : memref<512xi32, #tpu.memory_space<vmem>>, vector<16xi32>,
    tpu.vector_store %arg12[%swap3A_233], %add3A_232 {strides = array<i32>} : memref<512xi32, #tpu.memory_space<vmem>>, vector<16xi32>,
    %get3A_235 = arith.constant 160 : index
    %get3A_236 = tpu.vector_load %arg8[%get3A_235] {strides = array<i32>} : memref<512xi32, #tpu.memory_space<vmem>>, vector<16xi32>,
    %mul3A_237 = arith.constant 2400 : i32
    %mul3A_238 = vector.broadcast %mul3A_237 : i32 to vector<16xi32>
    %mul3A_239 = arith.muli %get3A_236, %mul3A_238 : vector<16xi32>
    %get3A_240 = arith.constant 160 : index
    %get3A_241 = tpu.vector_load %arg9[%get3A_240] {strides = array<i32>} : memref<512xi32, #tpu.memory_space<vmem>>, vector<16xi32>,
    %mul3A_242 = arith.constant 24 : i32
    %mul3A_243 = vector.broadcast %mul3A_242 : i32 to vector<16xi32>
    %mul3A_244 = arith.muli %get3A_241, %mul3A_243 : vector<16xi32>
    %add3A_245 = arith.addi %mul3A_239, %mul3A_244 : vector<16xi32>
    %get3A_246 = arith.constant 160 : index
    %get3A_247 = tpu.vector_load %arg10[%get3A_246] {strides = array<i32>} : memref<512xi32, #tpu.memory_space<vmem>>, vector<16xi32>,
    %mul3A_248 = arith.constant 6 : i32
    %mul3A_249 = vector.broadcast %mul3A_248 : i32 to vector<16xi32>
    %mul3A_250 = arith.muli %get3A_247, %mul3A_249 : vector<16xi32>
    %add3A_251 = arith.addi %add3A_245, %mul3A_250 : vector<16xi32>
    %get3A_252 = arith.constant 160 : index
    %get3A_253 = tpu.vector_load %arg11[%get3A_252] {strides = array<i32>} : memref<512xi32, #tpu.memory_space<vmem>>, vector<16xi32>,
    %add3A_254 = arith.addi %add3A_251, %get3A_253 : vector<16xi32>
    %swap3A_255 = arith.constant 160 : index
    %swap3A_256 = tpu.vector_load %arg12[%swap3A_255] {strides = array<i32>} : memref<512xi32, #tpu.memory_space<vmem>>, vector<16xi32>,
    tpu.vector_store %arg12[%swap3A_255], %add3A_254 {strides = array<i32>} : memref<512xi32, #tpu.memory_space<vmem>>, vector<16xi32>,
    %get3A_257 = arith.constant 176 : index
    %get3A_258 = tpu.vector_load %arg8[%get3A_257] {strides = array<i32>} : memref<512xi32, #tpu.memory_space<vmem>>, vector<16xi32>,
    %mul3A_259 = arith.constant 2400 : i32
    %mul3A_260 = vector.broadcast %mul3A_259 : i32 to vector<16xi32>
    %mul3A_261 = arith.muli %get3A_258, %mul3A_260 : vector<16xi32>
    %get3A_262 = arith.constant 176 : index
    %get3A_263 = tpu.vector_load %arg9[%get3A_262] {strides = array<i32>} : memref<512xi32, #tpu.memory_space<vmem>>, vector<16xi32>,
    %mul3A_264 = arith.constant 24 : i32
    %mul3A_265 = vector.broadcast %mul3A_264 : i32 to vector<16xi32>
    %mul3A_266 = arith.muli %get3A_263, %mul3A_265 : vector<16xi32>
    %add3A_267 = arith.addi %mul3A_261, %mul3A_266 : vector<16xi32>
    %get3A_268 = arith.constant 176 : index
    %get3A_269 = tpu.vector_load %arg10[%get3A_268] {strides = array<i32>} : memref<512xi32, #tpu.memory_space<vmem>>, vector<16xi32>,
    %mul3A_270 = arith.constant 6 : i32
    %mul3A_271 = vector.broadcast %mul3A_270 : i32 to vector<16xi32>
    %mul3A_272 = arith.muli %get3A_269, %mul3A_271 : vector<16xi32>
    %add3A_273 = arith.addi %add3A_267, %mul3A_272 : vector<16xi32>
    %get3A_274 = arith.constant 176 : index
    %get3A_275 = tpu.vector_load %arg11[%get3A_274] {strides = array<i32>} : memref<512xi32, #tpu.memory_space<vmem>>, vector<16xi32>,
    %add3A_276 = arith.addi %add3A_273, %get3A_275 : vector<16xi32>
    %swap3A_277 = arith.constant 176 : index
    %swap3A_278 = tpu.vector_load %arg12[%swap3A_277] {strides = array<i32>} : memref<512xi32, #tpu.memory_space<vmem>>, vector<16xi32>,
    tpu.vector_store %arg12[%swap3A_277], %add3A_276 {strides = array<i32>} : memref<512xi32, #tpu.memory_space<vmem>>, vector<16xi32>,
    %get3A_279 = arith.constant 192 : index
    %get3A_280 = tpu.vector_load %arg8[%get3A_279] {strides = array<i32>} : memref<512xi32, #tpu.memory_space<vmem>>, vector<16xi32>,
    %mul3A_281 = arith.constant 2400 : i32
    %mul3A_282 = vector.broadcast %mul3A_281 : i32 to vector<16xi32>
    %mul3A_283 = arith.muli %get3A_280, %mul3A_282 : vector<16xi32>
    %get3A_284 = arith.constant 192 : index
    %get3A_285 = tpu.vector_load %arg9[%get3A_284] {strides = array<i32>} : memref<512xi32, #tpu.memory_space<vmem>>, vector<16xi32>,
    %mul3A_286 = arith.constant 24 : i32
    %mul3A_287 = vector.broadcast %mul3A_286 : i32 to vector<16xi32>
    %mul3A_288 = arith.muli %get3A_285, %mul3A_287 : vector<16xi32>
    %add3A_289 = arith.addi %mul3A_283, %mul3A_288 : vector<16xi32>
    %get3A_290 = arith.constant 192 : index
    %get3A_291 = tpu.vector_load %arg10[%get3A_290] {strides = array<i32>} : memref<512xi32, #tpu.memory_space<vmem>>, vector<16xi32>,
    %mul3A_292 = arith.constant 6 : i32
    %mul3A_293 = vector.broadcast %mul3A_292 : i32 to vector<16xi32>
    %mul3A_294 = arith.muli %get3A_291, %mul3A_293 : vector<16xi32>
    %add3A_295 = arith.addi %add3A_289, %mul3A_294 : vector<16xi32>
    %get3A_296 = arith.constant 192 : index
    %get3A_297 = tpu.vector_load %arg11[%get3A_296] {strides = array<i32>} : memref<512xi32, #tpu.memory_space<vmem>>, vector<16xi32>,
    %add3A_298 = arith.addi %add3A_295, %get3A_297 : vector<16xi32>
    %swap3A_299 = arith.constant 192 : index
    %swap3A_300 = tpu.vector_load %arg12[%swap3A_299] {strides = array<i32>} : memref<512xi32, #tpu.memory_space<vmem>>, vector<16xi32>,
    tpu.vector_store %arg12[%swap3A_299], %add3A_298 {strides = array<i32>} : memref<512xi32, #tpu.memory_space<vmem>>, vector<16xi32>,
    %get3A_301 = arith.constant 208 : index
    %get3A_302 = tpu.vector_load %arg8[%get3A_301] {strides = array<i32>} : memref<512xi32, #tpu.memory_space<vmem>>, vector<16xi32>,
    %mul3A_303 = arith.constant 2400 : i32
    %mul3A_304 = vector.broadcast %mul3A_303 : i32 to vector<16xi32>
    %mul3A_305 = arith.muli %get3A_302, %mul3A_304 : vector<16xi32>
    %get3A_306 = arith.constant 208 : index
    %get3A_307 = tpu.vector_load %arg9[%get3A_306] {strides = array<i32>} : memref<512xi32, #tpu.memory_space<vmem>>, vector<16xi32>,
    %mul3A_308 = arith.constant 24 : i32
    %mul3A_309 = vector.broadcast %mul3A_308 : i32 to vector<16xi32>
    %mul3A_310 = arith.muli %get3A_307, %mul3A_309 : vector<16xi32>
    %add3A_311 = arith.addi %mul3A_305, %mul3A_310 : vector<16xi32>
    %get3A_312 = arith.constant 208 : index
    %get3A_313 = tpu.vector_load %arg10[%get3A_312] {strides = array<i32>} : memref<512xi32, #tpu.memory_space<vmem>>, vector<16xi32>,
    %mul3A_314 = arith.constant 6 : i32
    %mul3A_315 = vector.broadcast %mul3A_314 : i32 to vector<16xi32>
    %mul3A_316 = arith.muli %get3A_313, %mul3A_315 : vector<16xi32>
    %add3A_317 = arith.addi %add3A_311, %mul3A_316 : vector<16xi32>
    %get3A_318 = arith.constant 208 : index
    %get3A_319 = tpu.vector_load %arg11[%get3A_318] {strides = array<i32>} : memref<512xi32, #tpu.memory_space<vmem>>, vector<16xi32>,
    %add3A_320 = arith.addi %add3A_317, %get3A_319 : vector<16xi32>
    %swap3A_321 = arith.constant 208 : index
    %swap3A_322 = tpu.vector_load %arg12[%swap3A_321] {strides = array<i32>} : memref<512xi32, #tpu.memory_space<vmem>>, vector<16xi32>,
    tpu.vector_store %arg12[%swap3A_321], %add3A_320 {strides = array<i32>} : memref<512xi32, #tpu.memory_space<vmem>>, vector<16xi32>,
    %get3A_323 = arith.constant 224 : index
    %get3A_324 = tpu.vector_load %arg8[%get3A_323] {strides = array<i32>} : memref<512xi32, #tpu.memory_space<vmem>>, vector<16xi32>,
    %mul3A_325 = arith.constant 2400 : i32
    %mul3A_326 = vector.broadcast %mul3A_325 : i32 to vector<16xi32>
    %mul3A_327 = arith.muli %get3A_324, %mul3A_326 : vector<16xi32>
    %get3A_328 = arith.constant 224 : index
    %get3A_329 = tpu.vector_load %arg9[%get3A_328] {strides = array<i32>} : memref<512xi32, #tpu.memory_space<vmem>>, vector<16xi32>,
    %mul3A_330 = arith.constant 24 : i32
    %mul3A_331 = vector.broadcast %mul3A_330 : i32 to vector<16xi32>
    %mul3A_332 = arith.muli %get3A_329, %mul3A_331 : vector<16xi32>
    %add3A_333 = arith.addi %mul3A_327, %mul3A_332 : vector<16xi32>
    %get3A_334 = arith.constant 224 : index
    %get3A_335 = tpu.vector_load %arg10[%get3A_334] {strides = array<i32>} : memref<512xi32, #tpu.memory_space<vmem>>, vector<16xi32>,
    %mul3A_336 = arith.constant 6 : i32
    %mul3A_337 = vector.broadcast %mul3A_336 : i32 to vector<16xi32>
    %mul3A_338 = arith.muli %get3A_335, %mul3A_337 : vector<16xi32>
    %add3A_339 = arith.addi %add3A_333, %mul3A_338 : vector<16xi32>
    %get3A_340 = arith.constant 224 : index
    %get3A_341 = tpu.vector_load %arg11[%get3A_340] {strides = array<i32>} : memref<512xi32, #tpu.memory_space<vmem>>, vector<16xi32>,
    %add3A_342 = arith.addi %add3A_339, %get3A_341 : vector<16xi32>
    %swap3A_343 = arith.constant 224 : index
    %swap3A_344 = tpu.vector_load %arg12[%swap3A_343] {strides = array<i32>} : memref<512xi32, #tpu.memory_space<vmem>>, vector<16xi32>,
    tpu.vector_store %arg12[%swap3A_343], %add3A_342 {strides = array<i32>} : memref<512xi32, #tpu.memory_space<vmem>>, vector<16xi32>,
    %get3A_345 = arith.constant 240 : index
    %get3A_346 = tpu.vector_load %arg8[%get3A_345] {strides = array<i32>} : memref<512xi32, #tpu.memory_space<vmem>>, vector<16xi32>,
    %mul3A_347 = arith.constant 2400 : i32
    %mul3A_348 = vector.broadcast %mul3A_347 : i32 to vector<16xi32>
    %mul3A_349 = arith.muli %get3A_346, %mul3A_348 : vector<16xi32>
    %get3A_350 = arith.constant 240 : index
    %get3A_351 = tpu.vector_load %arg9[%get3A_350] {strides = array<i32>} : memref<512xi32, #tpu.memory_space<vmem>>, vector<16xi32>,
    %mul3A_352 = arith.constant 24 : i32
    %mul3A_353 = vector.broadcast %mul3A_352 : i32 to vector<16xi32>
    %mul3A_354 = arith.muli %get3A_351, %mul3A_353 : vector<16xi32>
    %add3A_355 = arith.addi %mul3A_349, %mul3A_354 : vector<16xi32>
    %get3A_356 = arith.constant 240 : index
    %get3A_357 = tpu.vector_load %arg10[%get3A_356] {strides = array<i32>} : memref<512xi32, #tpu.memory_space<vmem>>, vector<16xi32>,
    %mul3A_358 = arith.constant 6 : i32
    %mul3A_359 = vector.broadcast %mul3A_358 : i32 to vector<16xi32>
    %mul3A_360 = arith.muli %get3A_357, %mul3A_359 : vector<16xi32>
    %add3A_361 = arith.addi %add3A_355, %mul3A_360 : vector<16xi32>
    %get3A_362 = arith.constant 240 : index
    %get3A_363 = tpu.vector_load %arg11[%get3A_362] {strides = array<i32>} : memref<512xi32, #tpu.memory_space<vmem>>, vector<16xi32>,
    %add3A_364 = arith.addi %add3A_361, %get3A_363 : vector<16xi32>
    %swap3A_365 = arith.constant 240 : index
    %swap3A_366 = tpu.vector_load %arg12[%swap3A_365] {strides = array<i32>} : memref<512xi32, #tpu.memory_space<vmem>>, vector<16xi32>,
    tpu.vector_store %arg12[%swap3A_365], %add3A_364 {strides = array<i32>} : memref<512xi32, #tpu.memory_space<vmem>>, vector<16xi32>,
    %dma_start3A_367 = arith.constant 0 : i32
    %dma_start3A_368 = tpu.memref_slice %arg13[%dma_start3A_367] : memref<512xf32, #tpu.memory_space<vmem>> -> memref<256xf32, #tpu.memory_space<vmem>>
    %dma_start3A_369 = arith.constant 0 : i32
    %dma_start3A_370 = tpu.memref_slice %arg12[%dma_start3A_369] : memref<512xi32, #tpu.memory_space<vmem>> -> memref<256xi32, #tpu.memory_space<vmem>>
    %dma_start3A_371 = arith.constant 0 : i32
    %dma_start3A_372 = tpu.memref_slice %arg2[%dma_start3A_371] : memref<24000xf32, #tpu.memory_space<hbm>> -> memref<24000xf32, #tpu.memory_space<hbm>>
    tpu.enqueue_indirect_dma source(%dma_start3A_372 : memref<24000xf32, #tpu.memory_space<hbm>>) target(%dma_start3A_368 : memref<256xf32, #tpu.memory_space<vmem>>) offsets(%dma_start3A_370 : memref<256xi32, #tpu.memory_space<vmem>>) semaphore(%arg15 : memref<!tpu.dma_semaphore, #tpu.memory_space<semaphore_mem>>)
    %get3A_373 = arith.constant 256 : index
    %get3A_374 = tpu.vector_load %arg8[%get3A_373] {strides = array<i32>} : memref<512xi32, #tpu.memory_space<vmem>>, vector<16xi32>,
    %mul3A_375 = arith.constant 2400 : i32
    %mul3A_376 = vector.broadcast %mul3A_375 : i32 to vector<16xi32>
    %mul3A_377 = arith.muli %get3A_374, %mul3A_376 : vector<16xi32>
    %get3A_378 = arith.constant 256 : index
    %get3A_379 = tpu.vector_load %arg9[%get3A_378] {strides = array<i32>} : memref<512xi32, #tpu.memory_space<vmem>>, vector<16xi32>,
    %mul3A_380 = arith.constant 24 : i32
    %mul3A_381 = vector.broadcast %mul3A_380 : i32 to vector<16xi32>
    %mul3A_382 = arith.muli %get3A_379, %mul3A_381 : vector<16xi32>
    %add3A_383 = arith.addi %mul3A_377, %mul3A_382 : vector<16xi32>
    %get3A_384 = arith.constant 256 : index
    %get3A_385 = tpu.vector_load %arg10[%get3A_384] {strides = array<i32>} : memref<512xi32, #tpu.memory_space<vmem>>, vector<16xi32>,
    %mul3A_386 = arith.constant 6 : i32
    %mul3A_387 = vector.broadcast %mul3A_386 : i32 to vector<16xi32>
    %mul3A_388 = arith.muli %get3A_385, %mul3A_387 : vector<16xi32>
    %add3A_389 = arith.addi %add3A_383, %mul3A_388 : vector<16xi32>
    %get3A_390 = arith.constant 256 : index
    %get3A_391 = tpu.vector_load %arg11[%get3A_390] {strides = array<i32>} : memref<512xi32, #tpu.memory_space<vmem>>, vector<16xi32>,
    %add3A_392 = arith.addi %add3A_389, %get3A_391 : vector<16xi32>
    %swap3A_393 = arith.constant 256 : index
    %swap3A_394 = tpu.vector_load %arg12[%swap3A_393] {strides = array<i32>} : memref<512xi32, #tpu.memory_space<vmem>>, vector<16xi32>,
    tpu.vector_store %arg12[%swap3A_393], %add3A_392 {strides = array<i32>} : memref<512xi32, #tpu.memory_space<vmem>>, vector<16xi32>,
    %get3A_395 = arith.constant 272 : index
    %get3A_396 = tpu.vector_load %arg8[%get3A_395] {strides = array<i32>} : memref<512xi32, #tpu.memory_space<vmem>>, vector<16xi32>,
    %mul3A_397 = arith.constant 2400 : i32
    %mul3A_398 = vector.broadcast %mul3A_397 : i32 to vector<16xi32>
    %mul3A_399 = arith.muli %get3A_396, %mul3A_398 : vector<16xi32>
    %get3A_400 = arith.constant 272 : index
    %get3A_401 = tpu.vector_load %arg9[%get3A_400] {strides = array<i32>} : memref<512xi32, #tpu.memory_space<vmem>>, vector<16xi32>,
    %mul3A_402 = arith.constant 24 : i32
    %mul3A_403 = vector.broadcast %mul3A_402 : i32 to vector<16xi32>
    %mul3A_404 = arith.muli %get3A_401, %mul3A_403 : vector<16xi32>
    %add3A_405 = arith.addi %mul3A_399, %mul3A_404 : vector<16xi32>
    %get3A_406 = arith.constant 272 : index
    %get3A_407 = tpu.vector_load %arg10[%get3A_406] {strides = array<i32>} : memref<512xi32, #tpu.memory_space<vmem>>, vector<16xi32>,
    %mul3A_408 = arith.constant 6 : i32
    %mul3A_409 = vector.broadcast %mul3A_408 : i32 to vector<16xi32>
    %mul3A_410 = arith.muli %get3A_407, %mul3A_409 : vector<16xi32>
    %add3A_411 = arith.addi %add3A_405, %mul3A_410 : vector<16xi32>
    %get3A_412 = arith.constant 272 : index
    %get3A_413 = tpu.vector_load %arg11[%get3A_412] {strides = array<i32>} : memref<512xi32, #tpu.memory_space<vmem>>, vector<16xi32>,
    %add3A_414 = arith.addi %add3A_411, %get3A_413 : vector<16xi32>
    %swap3A_415 = arith.constant 272 : index
    %swap3A_416 = tpu.vector_load %arg12[%swap3A_415] {strides = array<i32>} : memref<512xi32, #tpu.memory_space<vmem>>, vector<16xi32>,
    tpu.vector_store %arg12[%swap3A_415], %add3A_414 {strides = array<i32>} : memref<512xi32, #tpu.memory_space<vmem>>, vector<16xi32>,
    %get3A_417 = arith.constant 288 : index
    %get3A_418 = tpu.vector_load %arg8[%get3A_417] {strides = array<i32>} : memref<512xi32, #tpu.memory_space<vmem>>, vector<16xi32>,
    %mul3A_419 = arith.constant 2400 : i32
    %mul3A_420 = vector.broadcast %mul3A_419 : i32 to vector<16xi32>
    %mul3A_421 = arith.muli %get3A_418, %mul3A_420 : vector<16xi32>
    %get3A_422 = arith.constant 288 : index
    %get3A_423 = tpu.vector_load %arg9[%get3A_422] {strides = array<i32>} : memref<512xi32, #tpu.memory_space<vmem>>, vector<16xi32>,
    %mul3A_424 = arith.constant 24 : i32
    %mul3A_425 = vector.broadcast %mul3A_424 : i32 to vector<16xi32>
    %mul3A_426 = arith.muli %get3A_423, %mul3A_425 : vector<16xi32>
    %add3A_427 = arith.addi %mul3A_421, %mul3A_426 : vector<16xi32>
    %get3A_428 = arith.constant 288 : index
    %get3A_429 = tpu.vector_load %arg10[%get3A_428] {strides = array<i32>} : memref<512xi32, #tpu.memory_space<vmem>>, vector<16xi32>,
    %mul3A_430 = arith.constant 6 : i32
    %mul3A_431 = vector.broadcast %mul3A_430 : i32 to vector<16xi32>
    %mul3A_432 = arith.muli %get3A_429, %mul3A_431 : vector<16xi32>
    %add3A_433 = arith.addi %add3A_427, %mul3A_432 : vector<16xi32>
    %get3A_434 = arith.constant 288 : index
    %get3A_435 = tpu.vector_load %arg11[%get3A_434] {strides = array<i32>} : memref<512xi32, #tpu.memory_space<vmem>>, vector<16xi32>,
    %add3A_436 = arith.addi %add3A_433, %get3A_435 : vector<16xi32>
    %swap3A_437 = arith.constant 288 : index
    %swap3A_438 = tpu.vector_load %arg12[%swap3A_437] {strides = array<i32>} : memref<512xi32, #tpu.memory_space<vmem>>, vector<16xi32>,
    tpu.vector_store %arg12[%swap3A_437], %add3A_436 {strides = array<i32>} : memref<512xi32, #tpu.memory_space<vmem>>, vector<16xi32>,
    %get3A_439 = arith.constant 304 : index
    %get3A_440 = tpu.vector_load %arg8[%get3A_439] {strides = array<i32>} : memref<512xi32, #tpu.memory_space<vmem>>, vector<16xi32>,
    %mul3A_441 = arith.constant 2400 : i32
    %mul3A_442 = vector.broadcast %mul3A_441 : i32 to vector<16xi32>
    %mul3A_443 = arith.muli %get3A_440, %mul3A_442 : vector<16xi32>
    %get3A_444 = arith.constant 304 : index
    %get3A_445 = tpu.vector_load %arg9[%get3A_444] {strides = array<i32>} : memref<512xi32, #tpu.memory_space<vmem>>, vector<16xi32>,
    %mul3A_446 = arith.constant 24 : i32
    %mul3A_447 = vector.broadcast %mul3A_446 : i32 to vector<16xi32>
    %mul3A_448 = arith.muli %get3A_445, %mul3A_447 : vector<16xi32>
    %add3A_449 = arith.addi %mul3A_443, %mul3A_448 : vector<16xi32>
    %get3A_450 = arith.constant 304 : index
    %get3A_451 = tpu.vector_load %arg10[%get3A_450] {strides = array<i32>} : memref<512xi32, #tpu.memory_space<vmem>>, vector<16xi32>,
    %mul3A_452 = arith.constant 6 : i32
    %mul3A_453 = vector.broadcast %mul3A_452 : i32 to vector<16xi32>
    %mul3A_454 = arith.muli %get3A_451, %mul3A_453 : vector<16xi32>
    %add3A_455 = arith.addi %add3A_449, %mul3A_454 : vector<16xi32>
    %get3A_456 = arith.constant 304 : index
    %get3A_457 = tpu.vector_load %arg11[%get3A_456] {strides = array<i32>} : memref<512xi32, #tpu.memory_space<vmem>>, vector<16xi32>,
    %add3A_458 = arith.addi %add3A_455, %get3A_457 : vector<16xi32>
    %swap3A_459 = arith.constant 304 : index
    %swap3A_460 = tpu.vector_load %arg12[%swap3A_459] {strides = array<i32>} : memref<512xi32, #tpu.memory_space<vmem>>, vector<16xi32>,
    tpu.vector_store %arg12[%swap3A_459], %add3A_458 {strides = array<i32>} : memref<512xi32, #tpu.memory_space<vmem>>, vector<16xi32>,
    %get3A_461 = arith.constant 320 : index
    %get3A_462 = tpu.vector_load %arg8[%get3A_461] {strides = array<i32>} : memref<512xi32, #tpu.memory_space<vmem>>, vector<16xi32>,
    %mul3A_463 = arith.constant 2400 : i32
    %mul3A_464 = vector.broadcast %mul3A_463 : i32 to vector<16xi32>
    %mul3A_465 = arith.muli %get3A_462, %mul3A_464 : vector<16xi32>
    %get3A_466 = arith.constant 320 : index
    %get3A_467 = tpu.vector_load %arg9[%get3A_466] {strides = array<i32>} : memref<512xi32, #tpu.memory_space<vmem>>, vector<16xi32>,
    %mul3A_468 = arith.constant 24 : i32
    %mul3A_469 = vector.broadcast %mul3A_468 : i32 to vector<16xi32>
    %mul3A_470 = arith.muli %get3A_467, %mul3A_469 : vector<16xi32>
    %add3A_471 = arith.addi %mul3A_465, %mul3A_470 : vector<16xi32>
    %get3A_472 = arith.constant 320 : index
    %get3A_473 = tpu.vector_load %arg10[%get3A_472] {strides = array<i32>} : memref<512xi32, #tpu.memory_space<vmem>>, vector<16xi32>,
    %mul3A_474 = arith.constant 6 : i32
    %mul3A_475 = vector.broadcast %mul3A_474 : i32 to vector<16xi32>
    %mul3A_476 = arith.muli %get3A_473, %mul3A_475 : vector<16xi32>
    %add3A_477 = arith.addi %add3A_471, %mul3A_476 : vector<16xi32>
    %get3A_478 = arith.constant 320 : index
    %get3A_479 = tpu.vector_load %arg11[%get3A_478] {strides = array<i32>} : memref<512xi32, #tpu.memory_space<vmem>>, vector<16xi32>,
    %add3A_480 = arith.addi %add3A_477, %get3A_479 : vector<16xi32>
    %swap3A_481 = arith.constant 320 : index
    %swap3A_482 = tpu.vector_load %arg12[%swap3A_481] {strides = array<i32>} : memref<512xi32, #tpu.memory_space<vmem>>, vector<16xi32>,
    tpu.vector_store %arg12[%swap3A_481], %add3A_480 {strides = array<i32>} : memref<512xi32, #tpu.memory_space<vmem>>, vector<16xi32>,
    %get3A_483 = arith.constant 336 : index
    %get3A_484 = tpu.vector_load %arg8[%get3A_483] {strides = array<i32>} : memref<512xi32, #tpu.memory_space<vmem>>, vector<16xi32>,
    %mul3A_485 = arith.constant 2400 : i32
    %mul3A_486 = vector.broadcast %mul3A_485 : i32 to vector<16xi32>
    %mul3A_487 = arith.muli %get3A_484, %mul3A_486 : vector<16xi32>
    %get3A_488 = arith.constant 336 : index
    %get3A_489 = tpu.vector_load %arg9[%get3A_488] {strides = array<i32>} : memref<512xi32, #tpu.memory_space<vmem>>, vector<16xi32>,
    %mul3A_490 = arith.constant 24 : i32
    %mul3A_491 = vector.broadcast %mul3A_490 : i32 to vector<16xi32>
    %mul3A_492 = arith.muli %get3A_489, %mul3A_491 : vector<16xi32>
    %add3A_493 = arith.addi %mul3A_487, %mul3A_492 : vector<16xi32>
    %get3A_494 = arith.constant 336 : index
    %get3A_495 = tpu.vector_load %arg10[%get3A_494] {strides = array<i32>} : memref<512xi32, #tpu.memory_space<vmem>>, vector<16xi32>,
    %mul3A_496 = arith.constant 6 : i32
    %mul3A_497 = vector.broadcast %mul3A_496 : i32 to vector<16xi32>
    %mul3A_498 = arith.muli %get3A_495, %mul3A_497 : vector<16xi32>
    %add3A_499 = arith.addi %add3A_493, %mul3A_498 : vector<16xi32>
    %get3A_500 = arith.constant 336 : index
    %get3A_501 = tpu.vector_load %arg11[%get3A_500] {strides = array<i32>} : memref<512xi32, #tpu.memory_space<vmem>>, vector<16xi32>,
    %add3A_502 = arith.addi %add3A_499, %get3A_501 : vector<16xi32>
    %swap3A_503 = arith.constant 336 : index
    %swap3A_504 = tpu.vector_load %arg12[%swap3A_503] {strides = array<i32>} : memref<512xi32, #tpu.memory_space<vmem>>, vector<16xi32>,
    tpu.vector_store %arg12[%swap3A_503], %add3A_502 {strides = array<i32>} : memref<512xi32, #tpu.memory_space<vmem>>, vector<16xi32>,
    %get3A_505 = arith.constant 352 : index
    %get3A_506 = tpu.vector_load %arg8[%get3A_505] {strides = array<i32>} : memref<512xi32, #tpu.memory_space<vmem>>, vector<16xi32>,
    %mul3A_507 = arith.constant 2400 : i32
    %mul3A_508 = vector.broadcast %mul3A_507 : i32 to vector<16xi32>
    %mul3A_509 = arith.muli %get3A_506, %mul3A_508 : vector<16xi32>
    %get3A_510 = arith.constant 352 : index
    %get3A_511 = tpu.vector_load %arg9[%get3A_510] {strides = array<i32>} : memref<512xi32, #tpu.memory_space<vmem>>, vector<16xi32>,
    %mul3A_512 = arith.constant 24 : i32
    %mul3A_513 = vector.broadcast %mul3A_512 : i32 to vector<16xi32>
    %mul3A_514 = arith.muli %get3A_511, %mul3A_513 : vector<16xi32>
    %add3A_515 = arith.addi %mul3A_509, %mul3A_514 : vector<16xi32>
    %get3A_516 = arith.constant 352 : index
    %get3A_517 = tpu.vector_load %arg10[%get3A_516] {strides = array<i32>} : memref<512xi32, #tpu.memory_space<vmem>>, vector<16xi32>,
    %mul3A_518 = arith.constant 6 : i32
    %mul3A_519 = vector.broadcast %mul3A_518 : i32 to vector<16xi32>
    %mul3A_520 = arith.muli %get3A_517, %mul3A_519 : vector<16xi32>
    %add3A_521 = arith.addi %add3A_515, %mul3A_520 : vector<16xi32>
    %get3A_522 = arith.constant 352 : index
    %get3A_523 = tpu.vector_load %arg11[%get3A_522] {strides = array<i32>} : memref<512xi32, #tpu.memory_space<vmem>>, vector<16xi32>,
    %add3A_524 = arith.addi %add3A_521, %get3A_523 : vector<16xi32>
    %swap3A_525 = arith.constant 352 : index
    %swap3A_526 = tpu.vector_load %arg12[%swap3A_525] {strides = array<i32>} : memref<512xi32, #tpu.memory_space<vmem>>, vector<16xi32>,
    tpu.vector_store %arg12[%swap3A_525], %add3A_524 {strides = array<i32>} : memref<512xi32, #tpu.memory_space<vmem>>, vector<16xi32>,
    %get3A_527 = arith.constant 368 : index
    %get3A_528 = tpu.vector_load %arg8[%get3A_527] {strides = array<i32>} : memref<512xi32, #tpu.memory_space<vmem>>, vector<16xi32>,
    %mul3A_529 = arith.constant 2400 : i32
    %mul3A_530 = vector.broadcast %mul3A_529 : i32 to vector<16xi32>
    %mul3A_531 = arith.muli %get3A_528, %mul3A_530 : vector<16xi32>
    %get3A_532 = arith.constant 368 : index
    %get3A_533 = tpu.vector_load %arg9[%get3A_532] {strides = array<i32>} : memref<512xi32, #tpu.memory_space<vmem>>, vector<16xi32>,
    %mul3A_534 = arith.constant 24 : i32
    %mul3A_535 = vector.broadcast %mul3A_534 : i32 to vector<16xi32>
    %mul3A_536 = arith.muli %get3A_533, %mul3A_535 : vector<16xi32>
    %add3A_537 = arith.addi %mul3A_531, %mul3A_536 : vector<16xi32>
    %get3A_538 = arith.constant 368 : index
    %get3A_539 = tpu.vector_load %arg10[%get3A_538] {strides = array<i32>} : memref<512xi32, #tpu.memory_space<vmem>>, vector<16xi32>,
    %mul3A_540 = arith.constant 6 : i32
    %mul3A_541 = vector.broadcast %mul3A_540 : i32 to vector<16xi32>
    %mul3A_542 = arith.muli %get3A_539, %mul3A_541 : vector<16xi32>
    %add3A_543 = arith.addi %add3A_537, %mul3A_542 : vector<16xi32>
    %get3A_544 = arith.constant 368 : index
    %get3A_545 = tpu.vector_load %arg11[%get3A_544] {strides = array<i32>} : memref<512xi32, #tpu.memory_space<vmem>>, vector<16xi32>,
    %add3A_546 = arith.addi %add3A_543, %get3A_545 : vector<16xi32>
    %swap3A_547 = arith.constant 368 : index
    %swap3A_548 = tpu.vector_load %arg12[%swap3A_547] {strides = array<i32>} : memref<512xi32, #tpu.memory_space<vmem>>, vector<16xi32>,
    tpu.vector_store %arg12[%swap3A_547], %add3A_546 {strides = array<i32>} : memref<512xi32, #tpu.memory_space<vmem>>, vector<16xi32>,
    %get3A_549 = arith.constant 384 : index
    %get3A_550 = tpu.vector_load %arg8[%get3A_549] {strides = array<i32>} : memref<512xi32, #tpu.memory_space<vmem>>, vector<16xi32>,
    %mul3A_551 = arith.constant 2400 : i32
    %mul3A_552 = vector.broadcast %mul3A_551 : i32 to vector<16xi32>
    %mul3A_553 = arith.muli %get3A_550, %mul3A_552 : vector<16xi32>
    %get3A_554 = arith.constant 384 : index
    %get3A_555 = tpu.vector_load %arg9[%get3A_554] {strides = array<i32>} : memref<512xi32, #tpu.memory_space<vmem>>, vector<16xi32>,
    %mul3A_556 = arith.constant 24 : i32
    %mul3A_557 = vector.broadcast %mul3A_556 : i32 to vector<16xi32>
    %mul3A_558 = arith.muli %get3A_555, %mul3A_557 : vector<16xi32>
    %add3A_559 = arith.addi %mul3A_553, %mul3A_558 : vector<16xi32>
    %get3A_560 = arith.constant 384 : index
    %get3A_561 = tpu.vector_load %arg10[%get3A_560] {strides = array<i32>} : memref<512xi32, #tpu.memory_space<vmem>>, vector<16xi32>,
    %mul3A_562 = arith.constant 6 : i32
    %mul3A_563 = vector.broadcast %mul3A_562 : i32 to vector<16xi32>
    %mul3A_564 = arith.muli %get3A_561, %mul3A_563 : vector<16xi32>
    %add3A_565 = arith.addi %add3A_559, %mul3A_564 : vector<16xi32>
    %get3A_566 = arith.constant 384 : index
    %get3A_567 = tpu.vector_load %arg11[%get3A_566] {strides = array<i32>} : memref<512xi32, #tpu.memory_space<vmem>>, vector<16xi32>,
    %add3A_568 = arith.addi %add3A_565, %get3A_567 : vector<16xi32>
    %swap3A_569 = arith.constant 384 : index
    %swap3A_570 = tpu.vector_load %arg12[%swap3A_569] {strides = array<i32>} : memref<512xi32, #tpu.memory_space<vmem>>, vector<16xi32>,
    tpu.vector_store %arg12[%swap3A_569], %add3A_568 {strides = array<i32>} : memref<512xi32, #tpu.memory_space<vmem>>, vector<16xi32>,
    %get3A_571 = arith.constant 400 : index
    %get3A_572 = tpu.vector_load %arg8[%get3A_571] {strides = array<i32>} : memref<512xi32, #tpu.memory_space<vmem>>, vector<16xi32>,
    %mul3A_573 = arith.constant 2400 : i32
    %mul3A_574 = vector.broadcast %mul3A_573 : i32 to vector<16xi32>
    %mul3A_575 = arith.muli %get3A_572, %mul3A_574 : vector<16xi32>
    %get3A_576 = arith.constant 400 : index
    %get3A_577 = tpu.vector_load %arg9[%get3A_576] {strides = array<i32>} : memref<512xi32, #tpu.memory_space<vmem>>, vector<16xi32>,
    %mul3A_578 = arith.constant 24 : i32
    %mul3A_579 = vector.broadcast %mul3A_578 : i32 to vector<16xi32>
    %mul3A_580 = arith.muli %get3A_577, %mul3A_579 : vector<16xi32>
    %add3A_581 = arith.addi %mul3A_575, %mul3A_580 : vector<16xi32>
    %get3A_582 = arith.constant 400 : index
    %get3A_583 = tpu.vector_load %arg10[%get3A_582] {strides = array<i32>} : memref<512xi32, #tpu.memory_space<vmem>>, vector<16xi32>,
    %mul3A_584 = arith.constant 6 : i32
    %mul3A_585 = vector.broadcast %mul3A_584 : i32 to vector<16xi32>
    %mul3A_586 = arith.muli %get3A_583, %mul3A_585 : vector<16xi32>
    %add3A_587 = arith.addi %add3A_581, %mul3A_586 : vector<16xi32>
    %get3A_588 = arith.constant 400 : index
    %get3A_589 = tpu.vector_load %arg11[%get3A_588] {strides = array<i32>} : memref<512xi32, #tpu.memory_space<vmem>>, vector<16xi32>,
    %add3A_590 = arith.addi %add3A_587, %get3A_589 : vector<16xi32>
    %swap3A_591 = arith.constant 400 : index
    %swap3A_592 = tpu.vector_load %arg12[%swap3A_591] {strides = array<i32>} : memref<512xi32, #tpu.memory_space<vmem>>, vector<16xi32>,
    tpu.vector_store %arg12[%swap3A_591], %add3A_590 {strides = array<i32>} : memref<512xi32, #tpu.memory_space<vmem>>, vector<16xi32>,
    %get3A_593 = arith.constant 416 : index
    %get3A_594 = tpu.vector_load %arg8[%get3A_593] {strides = array<i32>} : memref<512xi32, #tpu.memory_space<vmem>>, vector<16xi32>,
    %mul3A_595 = arith.constant 2400 : i32
    %mul3A_596 = vector.broadcast %mul3A_595 : i32 to vector<16xi32>
    %mul3A_597 = arith.muli %get3A_594, %mul3A_596 : vector<16xi32>
    %get3A_598 = arith.constant 416 : index
    %get3A_599 = tpu.vector_load %arg9[%get3A_598] {strides = array<i32>} : memref<512xi32, #tpu.memory_space<vmem>>, vector<16xi32>,
    %mul3A_600 = arith.constant 24 : i32
    %mul3A_601 = vector.broadcast %mul3A_600 : i32 to vector<16xi32>
    %mul3A_602 = arith.muli %get3A_599, %mul3A_601 : vector<16xi32>
    %add3A_603 = arith.addi %mul3A_597, %mul3A_602 : vector<16xi32>
    %get3A_604 = arith.constant 416 : index
    %get3A_605 = tpu.vector_load %arg10[%get3A_604] {strides = array<i32>} : memref<512xi32, #tpu.memory_space<vmem>>, vector<16xi32>,
    %mul3A_606 = arith.constant 6 : i32
    %mul3A_607 = vector.broadcast %mul3A_606 : i32 to vector<16xi32>
    %mul3A_608 = arith.muli %get3A_605, %mul3A_607 : vector<16xi32>
    %add3A_609 = arith.addi %add3A_603, %mul3A_608 : vector<16xi32>
    %get3A_610 = arith.constant 416 : index
    %get3A_611 = tpu.vector_load %arg11[%get3A_610] {strides = array<i32>} : memref<512xi32, #tpu.memory_space<vmem>>, vector<16xi32>,
    %add3A_612 = arith.addi %add3A_609, %get3A_611 : vector<16xi32>
    %swap3A_613 = arith.constant 416 : index
    %swap3A_614 = tpu.vector_load %arg12[%swap3A_613] {strides = array<i32>} : memref<512xi32, #tpu.memory_space<vmem>>, vector<16xi32>,
    tpu.vector_store %arg12[%swap3A_613], %add3A_612 {strides = array<i32>} : memref<512xi32, #tpu.memory_space<vmem>>, vector<16xi32>,
    %get3A_615 = arith.constant 432 : index
    %get3A_616 = tpu.vector_load %arg8[%get3A_615] {strides = array<i32>} : memref<512xi32, #tpu.memory_space<vmem>>, vector<16xi32>,
    %mul3A_617 = arith.constant 2400 : i32
    %mul3A_618 = vector.broadcast %mul3A_617 : i32 to vector<16xi32>
    %mul3A_619 = arith.muli %get3A_616, %mul3A_618 : vector<16xi32>
    %get3A_620 = arith.constant 432 : index
    %get3A_621 = tpu.vector_load %arg9[%get3A_620] {strides = array<i32>} : memref<512xi32, #tpu.memory_space<vmem>>, vector<16xi32>,
    %mul3A_622 = arith.constant 24 : i32
    %mul3A_623 = vector.broadcast %mul3A_622 : i32 to vector<16xi32>
    %mul3A_624 = arith.muli %get3A_621, %mul3A_623 : vector<16xi32>
    %add3A_625 = arith.addi %mul3A_619, %mul3A_624 : vector<16xi32>
    %get3A_626 = arith.constant 432 : index
    %get3A_627 = tpu.vector_load %arg10[%get3A_626] {strides = array<i32>} : memref<512xi32, #tpu.memory_space<vmem>>, vector<16xi32>,
    %mul3A_628 = arith.constant 6 : i32
    %mul3A_629 = vector.broadcast %mul3A_628 : i32 to vector<16xi32>
    %mul3A_630 = arith.muli %get3A_627, %mul3A_629 : vector<16xi32>
    %add3A_631 = arith.addi %add3A_625, %mul3A_630 : vector<16xi32>
    %get3A_632 = arith.constant 432 : index
    %get3A_633 = tpu.vector_load %arg11[%get3A_632] {strides = array<i32>} : memref<512xi32, #tpu.memory_space<vmem>>, vector<16xi32>,
    %add3A_634 = arith.addi %add3A_631, %get3A_633 : vector<16xi32>
    %swap3A_635 = arith.constant 432 : index
    %swap3A_636 = tpu.vector_load %arg12[%swap3A_635] {strides = array<i32>} : memref<512xi32, #tpu.memory_space<vmem>>, vector<16xi32>,
    tpu.vector_store %arg12[%swap3A_635], %add3A_634 {strides = array<i32>} : memref<512xi32, #tpu.memory_space<vmem>>, vector<16xi32>,
    %get3A_637 = arith.constant 448 : index
    %get3A_638 = tpu.vector_load %arg8[%get3A_637] {strides = array<i32>} : memref<512xi32, #tpu.memory_space<vmem>>, vector<16xi32>,
    %mul3A_639 = arith.constant 2400 : i32
    %mul3A_640 = vector.broadcast %mul3A_639 : i32 to vector<16xi32>
    %mul3A_641 = arith.muli %get3A_638, %mul3A_640 : vector<16xi32>
    %get3A_642 = arith.constant 448 : index
    %get3A_643 = tpu.vector_load %arg9[%get3A_642] {strides = array<i32>} : memref<512xi32, #tpu.memory_space<vmem>>, vector<16xi32>,
    %mul3A_644 = arith.constant 24 : i32
    %mul3A_645 = vector.broadcast %mul3A_644 : i32 to vector<16xi32>
    %mul3A_646 = arith.muli %get3A_643, %mul3A_645 : vector<16xi32>
    %add3A_647 = arith.addi %mul3A_641, %mul3A_646 : vector<16xi32>
    %get3A_648 = arith.constant 448 : index
    %get3A_649 = tpu.vector_load %arg10[%get3A_648] {strides = array<i32>} : memref<512xi32, #tpu.memory_space<vmem>>, vector<16xi32>,
    %mul3A_650 = arith.constant 6 : i32
    %mul3A_651 = vector.broadcast %mul3A_650 : i32 to vector<16xi32>
    %mul3A_652 = arith.muli %get3A_649, %mul3A_651 : vector<16xi32>
    %add3A_653 = arith.addi %add3A_647, %mul3A_652 : vector<16xi32>
    %get3A_654 = arith.constant 448 : index
    %get3A_655 = tpu.vector_load %arg11[%get3A_654] {strides = array<i32>} : memref<512xi32, #tpu.memory_space<vmem>>, vector<16xi32>,
    %add3A_656 = arith.addi %add3A_653, %get3A_655 : vector<16xi32>
    %swap3A_657 = arith.constant 448 : index
    %swap3A_658 = tpu.vector_load %arg12[%swap3A_657] {strides = array<i32>} : memref<512xi32, #tpu.memory_space<vmem>>, vector<16xi32>,
    tpu.vector_store %arg12[%swap3A_657], %add3A_656 {strides = array<i32>} : memref<512xi32, #tpu.memory_space<vmem>>, vector<16xi32>,
    %get3A_659 = arith.constant 464 : index
    %get3A_660 = tpu.vector_load %arg8[%get3A_659] {strides = array<i32>} : memref<512xi32, #tpu.memory_space<vmem>>, vector<16xi32>,
    %mul3A_661 = arith.constant 2400 : i32
    %mul3A_662 = vector.broadcast %mul3A_661 : i32 to vector<16xi32>
    %mul3A_663 = arith.muli %get3A_660, %mul3A_662 : vector<16xi32>
    %get3A_664 = arith.constant 464 : index
    %get3A_665 = tpu.vector_load %arg9[%get3A_664] {strides = array<i32>} : memref<512xi32, #tpu.memory_space<vmem>>, vector<16xi32>,
    %mul3A_666 = arith.constant 24 : i32
    %mul3A_667 = vector.broadcast %mul3A_666 : i32 to vector<16xi32>
    %mul3A_668 = arith.muli %get3A_665, %mul3A_667 : vector<16xi32>
    %add3A_669 = arith.addi %mul3A_663, %mul3A_668 : vector<16xi32>
    %get3A_670 = arith.constant 464 : index
    %get3A_671 = tpu.vector_load %arg10[%get3A_670] {strides = array<i32>} : memref<512xi32, #tpu.memory_space<vmem>>, vector<16xi32>,
    %mul3A_672 = arith.constant 6 : i32
    %mul3A_673 = vector.broadcast %mul3A_672 : i32 to vector<16xi32>
    %mul3A_674 = arith.muli %get3A_671, %mul3A_673 : vector<16xi32>
    %add3A_675 = arith.addi %add3A_669, %mul3A_674 : vector<16xi32>
    %get3A_676 = arith.constant 464 : index
    %get3A_677 = tpu.vector_load %arg11[%get3A_676] {strides = array<i32>} : memref<512xi32, #tpu.memory_space<vmem>>, vector<16xi32>,
    %add3A_678 = arith.addi %add3A_675, %get3A_677 : vector<16xi32>
    %swap3A_679 = arith.constant 464 : index
    %swap3A_680 = tpu.vector_load %arg12[%swap3A_679] {strides = array<i32>} : memref<512xi32, #tpu.memory_space<vmem>>, vector<16xi32>,
    tpu.vector_store %arg12[%swap3A_679], %add3A_678 {strides = array<i32>} : memref<512xi32, #tpu.memory_space<vmem>>, vector<16xi32>,
    %get3A_681 = arith.constant 480 : index
    %get3A_682 = tpu.vector_load %arg8[%get3A_681] {strides = array<i32>} : memref<512xi32, #tpu.memory_space<vmem>>, vector<16xi32>,
    %mul3A_683 = arith.constant 2400 : i32
    %mul3A_684 = vector.broadcast %mul3A_683 : i32 to vector<16xi32>
    %mul3A_685 = arith.muli %get3A_682, %mul3A_684 : vector<16xi32>
    %get3A_686 = arith.constant 480 : index
    %get3A_687 = tpu.vector_load %arg9[%get3A_686] {strides = array<i32>} : memref<512xi32, #tpu.memory_space<vmem>>, vector<16xi32>,
    %mul3A_688 = arith.constant 24 : i32
    %mul3A_689 = vector.broadcast %mul3A_688 : i32 to vector<16xi32>
    %mul3A_690 = arith.muli %get3A_687, %mul3A_689 : vector<16xi32>
    %add3A_691 = arith.addi %mul3A_685, %mul3A_690 : vector<16xi32>
    %get3A_692 = arith.constant 480 : index
    %get3A_693 = tpu.vector_load %arg10[%get3A_692] {strides = array<i32>} : memref<512xi32, #tpu.memory_space<vmem>>, vector<16xi32>,
    %mul3A_694 = arith.constant 6 : i32
    %mul3A_695 = vector.broadcast %mul3A_694 : i32 to vector<16xi32>
    %mul3A_696 = arith.muli %get3A_693, %mul3A_695 : vector<16xi32>
    %add3A_697 = arith.addi %add3A_691, %mul3A_696 : vector<16xi32>
    %get3A_698 = arith.constant 480 : index
    %get3A_699 = tpu.vector_load %arg11[%get3A_698] {strides = array<i32>} : memref<512xi32, #tpu.memory_space<vmem>>, vector<16xi32>,
    %add3A_700 = arith.addi %add3A_697, %get3A_699 : vector<16xi32>
    %swap3A_701 = arith.constant 480 : index
    %swap3A_702 = tpu.vector_load %arg12[%swap3A_701] {strides = array<i32>} : memref<512xi32, #tpu.memory_space<vmem>>, vector<16xi32>,
    tpu.vector_store %arg12[%swap3A_701], %add3A_700 {strides = array<i32>} : memref<512xi32, #tpu.memory_space<vmem>>, vector<16xi32>,
    %get3A_703 = arith.constant 496 : index
    %get3A_704 = tpu.vector_load %arg8[%get3A_703] {strides = array<i32>} : memref<512xi32, #tpu.memory_space<vmem>>, vector<16xi32>,
    %mul3A_705 = arith.constant 2400 : i32
    %mul3A_706 = vector.broadcast %mul3A_705 : i32 to vector<16xi32>
    %mul3A_707 = arith.muli %get3A_704, %mul3A_706 : vector<16xi32>
    %get3A_708 = arith.constant 496 : index
    %get3A_709 = tpu.vector_load %arg9[%get3A_708] {strides = array<i32>} : memref<512xi32, #tpu.memory_space<vmem>>, vector<16xi32>,
    %mul3A_710 = arith.constant 24 : i32
    %mul3A_711 = vector.broadcast %mul3A_710 : i32 to vector<16xi32>
    %mul3A_712 = arith.muli %get3A_709, %mul3A_711 : vector<16xi32>
    %add3A_713 = arith.addi %mul3A_707, %mul3A_712 : vector<16xi32>
    %get3A_714 = arith.constant 496 : index
    %get3A_715 = tpu.vector_load %arg10[%get3A_714] {strides = array<i32>} : memref<512xi32, #tpu.memory_space<vmem>>, vector<16xi32>,
    %mul3A_716 = arith.constant 6 : i32
    %mul3A_717 = vector.broadcast %mul3A_716 : i32 to vector<16xi32>
    %mul3A_718 = arith.muli %get3A_715, %mul3A_717 : vector<16xi32>
    %add3A_719 = arith.addi %add3A_713, %mul3A_718 : vector<16xi32>
    %get3A_720 = arith.constant 496 : index
    %get3A_721 = tpu.vector_load %arg11[%get3A_720] {strides = array<i32>} : memref<512xi32, #tpu.memory_space<vmem>>, vector<16xi32>,
    %add3A_722 = arith.addi %add3A_719, %get3A_721 : vector<16xi32>
    %swap3A_723 = arith.constant 496 : index
    %swap3A_724 = tpu.vector_load %arg12[%swap3A_723] {strides = array<i32>} : memref<512xi32, #tpu.memory_space<vmem>>, vector<16xi32>,
    tpu.vector_store %arg12[%swap3A_723], %add3A_722 {strides = array<i32>} : memref<512xi32, #tpu.memory_space<vmem>>, vector<16xi32>,
    %dma_start3A_725 = arith.constant 256 : i32
    %dma_start3A_726 = tpu.memref_slice %arg13[%dma_start3A_725] : memref<512xf32, #tpu.memory_space<vmem>> -> memref<256xf32, #tpu.memory_space<vmem>>
    %dma_start3A_727 = arith.constant 256 : i32
    %dma_start3A_728 = tpu.memref_slice %arg12[%dma_start3A_727] : memref<512xi32, #tpu.memory_space<vmem>> -> memref<256xi32, #tpu.memory_space<vmem>>
    %dma_start3A_729 = arith.constant 0 : i32
    %dma_start3A_730 = tpu.memref_slice %arg2[%dma_start3A_729] : memref<24000xf32, #tpu.memory_space<hbm>> -> memref<24000xf32, #tpu.memory_space<hbm>>
    tpu.enqueue_indirect_dma source(%dma_start3A_730 : memref<24000xf32, #tpu.memory_space<hbm>>) target(%dma_start3A_726 : memref<256xf32, #tpu.memory_space<vmem>>) offsets(%dma_start3A_728 : memref<256xi32, #tpu.memory_space<vmem>>) semaphore(%arg16 : memref<!tpu.dma_semaphore, #tpu.memory_space<semaphore_mem>>)
    %dma_wait3A_731 = arith.constant 0 : i32
    %dma_wait3A_732 = tpu.memref_slice %arg13[%dma_wait3A_731] : memref<512xf32, #tpu.memory_space<vmem>> -> memref<256xf32, #tpu.memory_space<vmem>>
    %dma_wait3A_733 = arith.constant 0 : i32
    %dma_wait3A_734 = tpu.memref_slice %arg12[%dma_wait3A_733] : memref<512xi32, #tpu.memory_space<vmem>> -> memref<256xi32, #tpu.memory_space<vmem>>
    %dma_wait3A_735 = arith.constant 0 : i32
    %dma_wait3A_736 = tpu.memref_slice %arg2[%dma_wait3A_735] : memref<24000xf32, #tpu.memory_space<hbm>> -> memref<24000xf32, #tpu.memory_space<hbm>>
    tpu.wait_indirect_dma semaphore(%arg15 : memref<!tpu.dma_semaphore, #tpu.memory_space<semaphore_mem>>) src(%dma_wait3A_736 : memref<24000xf32, #tpu.memory_space<hbm>>) dst(%dma_wait3A_732 : memref<256xf32, #tpu.memory_space<vmem>>)
    %add3A_737 = arith.constant 0 : i32
    %add3A_738 = arith.addi %mul3A_2, %add3A_737 : i32
    %dma_start3A_739 = arith.constant 0 : i32
    %dma_start3A_740 = tpu.memref_slice %arg13[%dma_start3A_739] : memref<512xf32, #tpu.memory_space<vmem>> -> memref<256xf32, #tpu.memory_space<vmem>>
    %dma_start3A_741 = tpu.memref_slice %arg7[%add3A_738] : memref<16384xf32, #tpu.memory_space<hbm>> -> memref<256xf32, #tpu.memory_space<hbm>>
    %dma_start3A_742 = tpu.memref_slice %arg7[%add3A_738] : memref<16384xf32, #tpu.memory_space<hbm>> -> memref<256xf32, #tpu.memory_space<hbm>>
    %dma_start3A_743 = arith.constant 0 : i32
    %dma_start3A_744 = tpu.memref_slice %arg13[%dma_start3A_743] : memref<512xf32, #tpu.memory_space<vmem>> -> memref<256xf32, #tpu.memory_space<vmem>>
    tpu.enqueue_dma source(%dma_start3A_744 : memref<256xf32, #tpu.memory_space<vmem>>) target(%dma_start3A_742 : memref<256xf32, #tpu.memory_space<hbm>>) target_semaphore(%arg14 : memref<!tpu.dma_semaphore, #tpu.memory_space<semaphore_mem>>)
    %dma_wait3A_745 = arith.constant 256 : i32
    %dma_wait3A_746 = tpu.memref_slice %arg13[%dma_wait3A_745] : memref<512xf32, #tpu.memory_space<vmem>> -> memref<256xf32, #tpu.memory_space<vmem>>
    %dma_wait3A_747 = arith.constant 256 : i32
    %dma_wait3A_748 = tpu.memref_slice %arg12[%dma_wait3A_747] : memref<512xi32, #tpu.memory_space<vmem>> -> memref<256xi32, #tpu.memory_space<vmem>>
    %dma_wait3A_749 = arith.constant 0 : i32
    %dma_wait3A_750 = tpu.memref_slice %arg2[%dma_wait3A_749] : memref<24000xf32, #tpu.memory_space<hbm>> -> memref<24000xf32, #tpu.memory_space<hbm>>
    tpu.wait_indirect_dma semaphore(%arg16 : memref<!tpu.dma_semaphore, #tpu.memory_space<semaphore_mem>>) src(%dma_wait3A_750 : memref<24000xf32, #tpu.memory_space<hbm>>) dst(%dma_wait3A_746 : memref<256xf32, #tpu.memory_space<vmem>>)
    %add3A_751 = arith.constant 256 : i32
    %add3A_752 = arith.addi %mul3A_2, %add3A_751 : i32
    %dma_start3A_753 = arith.constant 256 : i32
    %dma_start3A_754 = tpu.memref_slice %arg13[%dma_start3A_753] : memref<512xf32, #tpu.memory_space<vmem>> -> memref<256xf32, #tpu.memory_space<vmem>>
    %dma_start3A_755 = tpu.memref_slice %arg7[%add3A_752] : memref<16384xf32, #tpu.memory_space<hbm>> -> memref<256xf32, #tpu.memory_space<hbm>>
    %dma_start3A_756 = tpu.memref_slice %arg7[%add3A_752] : memref<16384xf32, #tpu.memory_space<hbm>> -> memref<256xf32, #tpu.memory_space<hbm>>
    %dma_start3A_757 = arith.constant 256 : i32
    %dma_start3A_758 = tpu.memref_slice %arg13[%dma_start3A_757] : memref<512xf32, #tpu.memory_space<vmem>> -> memref<256xf32, #tpu.memory_space<vmem>>
    tpu.enqueue_dma source(%dma_start3A_758 : memref<256xf32, #tpu.memory_space<vmem>>) target(%dma_start3A_756 : memref<256xf32, #tpu.memory_space<hbm>>) target_semaphore(%arg14 : memref<!tpu.dma_semaphore, #tpu.memory_space<semaphore_mem>>)
    %dma_wait3A_759 = arith.constant 0 : i32
    %dma_wait3A_760 = tpu.memref_slice %arg13[%dma_wait3A_759] : memref<512xf32, #tpu.memory_space<vmem>> -> memref<256xf32, #tpu.memory_space<vmem>>
    %dma_wait3A_761 = tpu.memref_slice %arg7[%add3A_738] : memref<16384xf32, #tpu.memory_space<hbm>> -> memref<256xf32, #tpu.memory_space<hbm>>
    %dma_wait3A_762 = tpu.memref_slice %arg7[%add3A_738] : memref<16384xf32, #tpu.memory_space<hbm>> -> memref<256xf32, #tpu.memory_space<hbm>>
    %dma_wait3A_763 = arith.constant 0 : i32
    %dma_wait3A_764 = tpu.memref_slice %arg13[%dma_wait3A_763] : memref<512xf32, #tpu.memory_space<vmem>> -> memref<256xf32, #tpu.memory_space<vmem>>
    tpu.wait_dma2 semaphore(%arg14 : memref<!tpu.dma_semaphore, #tpu.memory_space<semaphore_mem>>) src(%dma_wait3A_764 : memref<256xf32, #tpu.memory_space<vmem>>) dst(%dma_wait3A_762 : memref<256xf32, #tpu.memory_space<hbm>>)
    %dma_wait3A_765 = arith.constant 256 : i32
    %dma_wait3A_766 = tpu.memref_slice %arg13[%dma_wait3A_765] : memref<512xf32, #tpu.memory_space<vmem>> -> memref<256xf32, #tpu.memory_space<vmem>>
    %dma_wait3A_767 = tpu.memref_slice %arg7[%add3A_752] : memref<16384xf32, #tpu.memory_space<hbm>> -> memref<256xf32, #tpu.memory_space<hbm>>
    %dma_wait3A_768 = tpu.memref_slice %arg7[%add3A_752] : memref<16384xf32, #tpu.memory_space<hbm>> -> memref<256xf32, #tpu.memory_space<hbm>>
    %dma_wait3A_769 = arith.constant 256 : i32
    %dma_wait3A_770 = tpu.memref_slice %arg13[%dma_wait3A_769] : memref<512xf32, #tpu.memory_space<vmem>> -> memref<256xf32, #tpu.memory_space<vmem>>
    tpu.wait_dma2 semaphore(%arg14 : memref<!tpu.dma_semaphore, #tpu.memory_space<semaphore_mem>>) src(%dma_wait3A_770 : memref<256xf32, #tpu.memory_space<vmem>>) dst(%dma_wait3A_768 : memref<256xf32, #tpu.memory_space<hbm>>)
    return
  }
}

</mosaic_0001>

<sc_bundles>
// kernel: kernel.3.cloned.1.call-start
scs
__scs_entry_jumppad:
0x0: {  	(pc) =	sbr.rel $0x88, $3  }
0x1: {  	(tag) =	ssettag $0x0;
	lr =	simm.s32 $0x1  }
0x2: {  	[smem:$0x3F9C] =	sst lr;
	_ =	strace $0xD0000000  }
0x3: {  	_ = 	snop  }
0x4: {  	_ = 	snop  }
0x5: {  	_ = 	snop  }
0x6: {  	_ = 	snop  }
0x7: {  	_ = 	snop  }
__scs_overlays_trampoline_lowered:
0x8: {  	[smem:$0x3FAB] =	sst s0  }
0x9: {  	[smem:$0x3FAC] =	sst s1  }
0xa: {  	[smem:$0x3FAD] =	sst s2  }
0xb: {  	[smem:$0x3FAE] =	sst s3  }
0xc: {  	[smem:$0x3FAF] =	sst s4  }
0xd: {  	[smem:$0x3FB0] =	sst s5  }
0xe: {  	[smem:$0x3FB1] =	sst s6  }
0xf: {  	[smem:$0x3FB2] =	sst s7  }
0x10: {  	[smem:$0x3FB3] =	sst s8  }
0x11: {  	[smem:$0x3FB4] =	sst s9;
	s0 =	simm.s32 @!p0 $0x0  }
0x12: {  	s1 =	sld [smem:$0x3F9A];
	s0 =	simm.s32 @p0 $0x1  }
0x13: {  	[smem:$0x3FB5] =	sst s0;
	s0 =	simm.s32 @!p1 $0x0  }
0x14: {  	s2 =	sld [smem:$0x3F99];
	s0 =	simm.s32 @p1 $0x1  }
0x15: {  	[smem:$0x3FB6] =	sst s0;
	s0 =	simm.s32 @!p2 $0x0  }
0x16: {  	s3 =	sld [smem:$0x3FDB];
	s0 =	simm.s32 @p2 $0x1  }
0x17: {  	s4 =	simm.s32 $0x1BF5;
	[smem:$0x3FB8] =	sst s0  }
0x18: {  	s0 =	sld [smem:$0x3F9B];
	_ =	swait.ge [sflag:s4], $0x0  }
0x19: {  	s7 =	sld [smem:$0x3F9C]  }
0x1a: {  	s8 =	sadd.s32 $0xFFFFE003, lr  }
0x1b: {  	s9 =	sadd.s32 $0xFFFFFEF7, lr;
	s5 =	simm.s32 $0xFFFFFFFF;
	p2 =	slt.u32 s8, $0xFFFFF086  }
0x1c: {  	p1 =	slt.u32 s9, $0xF7A;
	s5 =	simm.s32 @!p2 $0x0  }
0x1d: {  	s5 =	simm.s32 @p1 $0x1;
	p0 =	seq.s32 s7, s2  }
0x1e: {  	s7 =	smul.u32 @!p0 $0xF7A, s2;
	p2 =	seq.s32 @!p0 s5, $0x0  }
0x1f: {  	s9 =	smul.u32 $0xF7A, s1;
	s8 =	simm.s32 @!p0 $0x1BF5;
	p2 =	por !p2, p0  }
0x20: {  	[sflag:s8] =	ssyncset.s32 @!p0 $0xFFFFF086;
	s6 =	sadd.s32 @!p0 s3, s7;
	s7 =	simm.s32 @!p0 $0x108  }
0x21: {  	s3 =	sadd.s32 s3, s9;
	s6 =	sadd.s32 @!p0 $0x88, s6;
	s7 =	simm.s32 @p2 $0x1082  }
0x22: {  	[simem:s7], [sflag:s8] =	dma.local @!p0 [hbm:s6], $0xF7A  }
0x23: {  	s9 =	sor.u32 $0xD0000000, s2;
	s6 =	simm.s32 $0x108;
	_ =	swait.ge @!p0 [sflag:s8], $0x0  }
0x24: {  	s3 =	sadd.s32 $0x88, s3;
	s6 =	simm.s32 @!p1 $0x1082;
	[sflag:s4] =	ssyncset.s32 $0xFFFFF086  }
0x25: {  	[simem:s6], [sflag:s4] =	dma.local [hbm:s3], $0xF7A  }
0x26: {  	[smem:$0x3F9C] =	sst s1;
	(tag) =	ssettag s2;
	_ =	strace s9  }
0x27: {  	s1 =	sld [smem:$0x3FAC]  }
0x28: {  	s2 =	sld [smem:$0x3FAD]  }
0x29: {  	s4 =	sld [smem:$0x3FAF]  }
0x2a: {  	p0 =	seq.s32 s5, $0x0;
	s5 =	sld [smem:$0x3FB0]  }
0x2b: {  	s6 =	sld [smem:$0x3FB1]  }
0x2c: {  	s7 =	sld [smem:$0x3FB2]  }
0x2d: {  	s3 =	simm.s32 $0x108;
	s8 =	sld [smem:$0x3FB3]  }
0x2e: {  	s3 =	simm.s32 @!p0 $0x1082;
	s9 =	sld [smem:$0x3FB4]  }
0x2f: {  	lr =	sadd.s32 s0, s3;
	s0 =	sld [smem:$0x3FAB]  }
0x30: {  	s3 =	sld [smem:$0x3FAE]  }
0x31: {  	[smem:$0x3FB7] =	sst s10  }
0x32: {  	s10 =	sld [smem:$0x3FB5];
	_ =	sdelay $0x3  }
0x33: {  	p0 =	seq.s32 s10, $0x1;
	s10 =	sld [smem:$0x3FB7];
	_ =	sdelay $0x3  }
0x34: {  	[smem:$0x3FB7] =	sst s10  }
0x35: {  	s10 =	sld [smem:$0x3FB6];
	_ =	sdelay $0x3  }
0x36: {  	p1 =	seq.s32 s10, $0x1;
	s10 =	sld [smem:$0x3FB7];
	_ =	sdelay $0x3  }
0x37: {  	[smem:$0x3FB7] =	sst s10  }
0x38: {  	s10 =	sld [smem:$0x3FB8]  }
0x39: {  	_ = 	snop;
	(pc) =	sbr.ind lr, $3  }
0x3a: {  	_ = 	snop  }
0x3b: {  	_ = 	snop  }
0x3c: {  	p2 =	seq.s32 s10, $0x1;
	s10 =	sld [smem:$0x3FB7]  }
0x3d: {  	_ =	shalt  }
0x3e: {  	_ =	shalt  }
0x3f: {  	_ =	shalt  }
0x40: {  	_ =	shalt  }
0x41: {  	_ =	shalt  }
0x42: {  	_ =	shalt  }
0x43: {  	_ =	shalt  }
0x44: {  	_ =	shalt  }
0x45: {  	_ =	shalt  }
0x46: {  	_ =	shalt  }
0x47: {  	_ =	shalt  }
0x48: {  	_ =	shalt  }
0x49: {  	_ =	shalt  }
0x4a: {  	_ =	shalt  }
0x4b: {  	_ =	shalt  }
0x4c: {  	_ =	shalt  }
0x4d: {  	_ =	shalt  }
0x4e: {  	_ =	shalt  }
0x4f: {  	_ =	shalt  }
0x50: {  	_ =	shalt  }
0x51: {  	_ =	shalt  }
0x52: {  	_ =	shalt  }
0x53: {  	_ =	shalt  }
0x54: {  	_ =	shalt  }
0x55: {  	_ =	shalt  }
0x56: {  	_ =	shalt  }
0x57: {  	_ =	shalt  }
0x58: {  	_ =	shalt  }
0x59: {  	_ =	shalt  }
0x5a: {  	_ =	shalt  }
0x5b: {  	_ =	shalt  }
0x5c: {  	_ =	shalt  }
0x5d: {  	_ =	shalt  }
0x5e: {  	_ =	shalt  }
0x5f: {  	_ =	shalt  }
0x60: {  	_ =	shalt  }
0x61: {  	_ =	shalt  }
0x62: {  	_ =	shalt  }
0x63: {  	_ =	shalt  }
0x64: {  	_ =	shalt  }
0x65: {  	_ =	shalt  }
0x66: {  	_ =	shalt  }
0x67: {  	_ =	shalt  }
0x68: {  	_ =	shalt  }
0x69: {  	_ =	shalt  }
0x6a: {  	_ =	shalt  }
0x6b: {  	_ =	shalt  }
0x6c: {  	_ =	shalt  }
0x6d: {  	_ =	shalt  }
0x6e: {  	_ =	shalt  }
0x6f: {  	_ =	shalt  }
0x70: {  	_ =	shalt  }
0x71: {  	_ =	shalt  }
0x72: {  	_ =	shalt  }
0x73: {  	_ =	shalt  }
0x74: {  	_ =	shalt  }
0x75: {  	_ =	shalt  }
0x76: {  	_ =	shalt  }
0x77: {  	_ =	shalt  }
0x78: {  	_ =	shalt  }
0x79: {  	_ =	shalt  }
0x7a: {  	_ =	shalt  }
0x7b: {  	_ =	shalt  }
0x7c: {  	_ =	shalt  }
0x7d: {  	_ =	shalt  }
0x7e: {  	_ =	shalt  }
0x7f: {  	_ =	shalt  }
0x80: {  	_ =	shalt  }
0x81: {  	_ =	shalt  }
0x82: {  	_ =	shalt  }
0x83: {  	_ =	shalt  }
0x84: {  	_ =	shalt  }
0x85: {  	_ =	shalt  }
0x86: {  	_ =	shalt  }
0x87: {  	_ =	shalt  }
.Lfunc_end0:
.L_simem_size_0:
called_computation_lowered:
.L_overlay_start_0:
0x88: {  	s2 =	sld [smem:$0x3FD9]  }
0x89: {  	s3 =	sld [smem:$0x3FFE];
	_ =	sdelay $0x1  }
0x8a: {  	s1 =	srdreg.scid  }
0x8b: {  	s0 =	sand.u32 $0x1, s1  }
0x8c: {  	s17 =	sshll.u32 s0, $0xA;
	s2 =	sadd.s32 s3, s2  }
0x8d: {  	s2 =	sadd.s32 s2, s17  }
0x8e: {  	[smem:$0x3FC3] =	sst s2  }
0x8f: {  	_ = 	snop  }
0x90: {  	s2 =	sld [smem:$0x3FC8]  }
0x91: {  	s18 =	sld [smem:$0x3FC7]  }
0x92: {  	s4 =	sld [smem:$0x3FC6]  }
0x93: {  	s5 =	sld [smem:$0x3FC5]  }
0x94: {  	s6 =	sld [smem:$0x3FD0];
	(tm) =	ssettm $0x1  }
0x95: {  	s7 =	sld [smem:$0x3FFB];
	_ =	sdelay $0x3  }
0x96: {  	_ =	strace s7  }
0x97: {  	s7 =	sld [smem:$0x3FFC];
	_ =	sdelay $0x3  }
0x98: {  	_ =	strace s7  }
0x99: {  	s7 =	sld [smem:$0x3FFD];
	_ =	sdelay $0x3  }
0x9a: {  	_ =	strace s7  }
0x9b: {  	_ =	strace $0x8FFFFFFF  }
0x9c: {  	s19 =	sld [smem:$0x3FDB];
	_ =	sdelay $0x1  }
0x9d: {  	s8 =	simm.s32 $_scs_section_size  }
0x9e: {  	s9 =	simm.s32 $_size__tile_overlayer_lowered;
	s10 =	simm.s32 $_tile_overlayer_lowered  }
0x9f: {  	s22 =	simm.s32 $0x1BFF;
	s21 =	sshll.u32 s10, $0x1;
	s7 =	sadd.s32 s8, s19  }
0xa0: {  	s11 =	simm.s32 $0x0;
	s20 =	sshll.u32 s9, $0x1;
	s9 =	sadd.s32 s21, s7  }
0xa1: {  	[timem:s11], [sflag:s22] =	dma.local [hbm:s9], s20  }
0xa2: {  	_ =	swait.ge [sflag:s22], s20  }
0xa3: {  	s8 =	ssub.s32 $0x0, s20;
	[sflag:s22] =	ssyncset.done $0x0  }
0xa4: {  	[sflag:s22] =	ssyncadd.s32 s8;
	_ =	sdelay $0x1  }
0xa5: {  	s23 =	simm.s32 $0x1B8B  }
0xa6: {  	_ =	swait.ge [sflag:s23], $0x1  }
0xa7: {  	[sflag:s23] =	ssyncset.done $0x0  }
0xa8: {  	s25 =	simm.s32 $0x1B8E;
	s24 =	sld [smem:$0x3FFE];
	[sflag:s23] =	ssyncadd.s32 $0xFFFFFFFF  }
0xa9: {  	s26 =	simm.s32 $execute0_lowered;
	[smem:$0x3FD2] =	sst s25  }
0xaa: {  	s9 =	sshll.u32 s26, $0x1;
	_ =	strace $0x80000046;
	[dreg:$0x1] =	wrdreg $0xFFFFFFFF  }
0xab: {  	s28 =	simm.s32 $_size_execute0_lowered;
	s7 =	sadd.s32 s7, s9;
	[dreg:$0x0] =	wrdreg $0x0  }
0xac: {  	s9 =	sshll.u32 s28, $0x1;
	[dreg:$0x2] =	wrdreg s7  }
0xad: {  	[dreg:$0x3] =	wrdreg s9  }
0xae: {  	[dreg:$0x4] =	wrdreg $0xC0  }
0xaf: {  	_ =	task [dreg:s11], $0x5FFFF  }
0xb0: {  	[dreg:$0x1] =	wrdreg $0xFFFFFFFF  }
0xb1: {  	[dreg:$0x0] =	wrdreg $0x60  }
0xb2: {  	[dreg:$0x2] =	wrdreg s24  }
0xb3: {  	[dreg:$0x3] =	wrdreg s2  }
0xb4: {  	[dreg:$0x4] =	wrdreg s18  }
0xb5: {  	[dreg:$0x5] =	wrdreg s4  }
0xb6: {  	[dreg:$0x6] =	wrdreg s5  }
0xb7: {  	[dreg:$0x7] =	wrdreg s6  }
0xb8: {  	[dreg:$0x8] =	wrdreg $0x9  }
0xb9: {  	_ =	task.clear_ibuf [dreg:s11], $0x9FFFF;
	_ =	strace $0x90000046  }
0xba: {  	s29 =	simm.s32 $0x9;
	_ =	strace $0x80000048  }
0xbb: {  	_ =	swait.ge [sflag:s29], $0x1  }
0xbc: {  	[sflag:s29] =	ssyncadd.s32 $0xFFFFFFFF  }
0xbd: {  	_ =	strace $0x90000048  }
0xbe: {  	_ =	sfence  }
0xbf: {  	s30 =	sld [smem:$0x0];
	_ =	sdelay $0x2  }
0xc0: {  	s31 =	sshll.u32 s1, $0xD;
	s1 =	sshrl.u32 s1, $0x2  }
0xc1: {  	s3 =	sand.u32 $0x4000, s31;
	s1 =	sadd.s32 s1, s30  }
0xc2: {  	s0 =	sor.u32 s3, s0;
	s1 =	sshll.u32 s1, $0x11  }
0xc3: {  	s0 =	sor.u32 s1, s0  }
0xc4: {  	s0 =	sadd.s32 $0x8F2B, s0  }
0xc5: {  	[sflag:s0] =	ssyncadd.remote.s32 $0x1  }
0xc6: {  	_ =	sfence.sel $0xFFFF  }
0xc7: {  	[dreg:$0x0] =	wrdreg $0xFFFFFFFF;
	(pc) =	sbr.abs _section_cstart, $3  }
0xc8: {  	[dreg:$0x1] =	wrdreg $0xFFFFFFFF  }
0xc9: {  	_ =	task.clear_ibuf [dreg:s11], $0x2FFFF;
	_ =	strace $0x9FFFFFFF  }
0xca: {  	(tm) =	ssettm $0x7FFFFFFF  }
0xcb: {  	_ =	shalt  }
tec
execute0_lowered:
.L_overlay_start_1:
0x0: {  	(tag) =	ssettag $0x1  }
0x1: {  	s3 =	rddreg [dreg:$0x0]  }
0x2: {  	s4 =	rddreg [dreg:$0x1]  }
0x3: {  	s5 =	rddreg [dreg:$0x2]  }
0x4: {  	s7 =	rddreg [dreg:$0x3]  }
0x5: {  	s8 =	rddreg [dreg:$0x4]  }
0x6: {  	s6 =	rddreg [dreg:$0x5]  }
0x7: {  	s0 =	rddreg [dreg:$0x6];
	s1 =	simm.s32 $0x0  }
0x8: {  	s2 =	srdreg.scid;
	s13 =	simm.s32 $0x600;
	s14 =	simm.s32 $0x1  }
0x9: {  	s15 =	simm.s32 $0x100;
	s16 =	simm.s32 $0x800;
	s17 =	simm.s32 $0xA00  }
0xa: {  	s18 =	simm.s32 $0x900;
	s19 =	simm.s32 $0xB00;
	s20 =	simm.s32 $0x2  }
0xb: {  	s21 =	simm.s32 $0x3;
	[smem:$0x7FF] =	sst s1;
	s9 =	sand.u32 $0x1, s2  }
0xc: {  	s2 =	stileid.u32;
	s3 =	sadd.s32 $0x400, s3;
	_ =	strace $0x80000047  }
0xd: {  	s10 =	ssub.s32 $0x2, s9;
	s12 =	sshll.u32 s2, $0x7;
	s9 =	sshll.u32 s9, $0x6  }
0xe: {  	s11 =	sshrl.u32 s10, $0x1;
	s9 =	sor.u32 s9, s12;
	s12 =	simm.s32 $0x400  }
0xf: {  	s10 =	ssub.s32 s10, s11;
	s4 =	sadd.s32 s4, s9;
	s5 =	sadd.s32 s5, s9  }
0x10: {  	s6 =	sadd.s32 s6, s9;
	s7 =	sadd.s32 s7, s9;
	s8 =	sadd.s32 s8, s9  }
0x11: {  	s11 =	simm.s32 $0x200;
	s9 =	sadd.s32 $0x20, s6;
	s10 =	smax.u32 s10, $0x1  }
.LBB2_1:
0x12: {  	[tilespmem:s1], [sflag:$0x1] =	stream.linear.gather [hbm4b:s4+s1], $0x200, $0x38;
	[tilespmem:$0xC00] =	vst v63  }
0x13: {  	_ = 	snop  }
0x14: {  	[tilespmem:s11], [sflag:$0x1] =	stream.linear.gather [hbm4b:s5+s1], $0x200, $0x38;
	[tilespmem:$0xC00] =	vst v63  }
0x15: {  	_ = 	snop  }
0x16: {  	[tilespmem:s12], [sflag:$0x1] =	stream.linear.gather [hbm4b:s7+s1], $0x200, $0x38;
	[tilespmem:$0xC00] =	vst v63  }
0x17: {  	_ = 	snop  }
0x18: {  	[tilespmem:s13], [sflag:$0x1] =	stream.linear.gather [hbm4b:s8+s1], $0x200, $0x38;
	[tilespmem:$0xC00] =	vst v63  }
0x19: {  	_ =	swait.ge [sflag:s14], $0x200  }
0x1a: {  	[sflag:s14] =	ssyncset.done $0x0  }
0x1b: {  	[sflag:s14] =	ssyncadd.s32 $0xFFFFFE00  }
0x1c: {  	_ =	swait.ge [sflag:s14], $0x200  }
0x1d: {  	[sflag:s14] =	ssyncset.done $0x0  }
0x1e: {  	[sflag:s14] =	ssyncadd.s32 $0xFFFFFE00  }
0x1f: {  	_ =	swait.ge [sflag:s14], $0x200  }
0x20: {  	[sflag:s14] =	ssyncset.done $0x0  }
0x21: {  	[sflag:s14] =	ssyncadd.s32 $0xFFFFFE00  }
0x22: {  	_ =	swait.ge [sflag:s14], $0x200  }
0x23: {  	[sflag:s14] =	ssyncset.done $0x0  }
0x24: {  	[sflag:s14] =	ssyncadd.s32 $0xFFFFFE00  }
0x25: {  	v0 =	vld [tilespmem:$0x0]  }
0x26: {  	v1 =	vld [tilespmem:$0x200]  }
0x27: {  	v2 =	vld [tilespmem:$0x400]  }
0x28: {  	v3 =	vld [tilespmem:$0x600]  }
0x29: {  	v4 =	vld [tilespmem:$0x10]  }
0x2a: {  	v5 =	vld [tilespmem:$0x210]  }
0x2b: {  	v6 =	vld [tilespmem:$0x410]  }
0x2c: {  	v7 =	vld [tilespmem:$0x610]  }
0x2d: {  	v8 =	vld [tilespmem:$0x20]  }
0x2e: {  	v9 =	vld [tilespmem:$0x220]  }
0x2f: {  	v10 =	vld [tilespmem:$0x420]  }
0x30: {  	v11 =	vld [tilespmem:$0x620]  }
0x31: {  	v12 =	vld [tilespmem:$0x30]  }
0x32: {  	v13 =	vld [tilespmem:$0x230]  }
0x33: {  	v14 =	vld [tilespmem:$0x430]  }
0x34: {  	v15 =	vld [tilespmem:$0x630]  }
0x35: {  	v16 =	vld [tilespmem:$0x40]  }
0x36: {  	v17 =	vld [tilespmem:$0x240]  }
0x37: {  	v18 =	vld [tilespmem:$0x440]  }
0x38: {  	v19 =	vld [tilespmem:$0x640]  }
0x39: {  	v20 =	vld [tilespmem:$0x50]  }
0x3a: {  	v21 =	vld [tilespmem:$0x250]  }
0x3b: {  	v22 =	vld [tilespmem:$0x450]  }
0x3c: {  	v23 =	vld [tilespmem:$0x650]  }
0x3d: {  	v24 =	vld [tilespmem:$0x60]  }
0x3e: {  	v25 =	vld [tilespmem:$0x260]  }
0x3f: {  	v26 =	vld [tilespmem:$0x460]  }
0x40: {  	v27 =	vld [tilespmem:$0x660]  }
0x41: {  	v28 =	vld [tilespmem:$0x70]  }
0x42: {  	v29 =	vld [tilespmem:$0x270]  }
0x43: {  	v30 =	vld [tilespmem:$0x470]  }
0x44: {  	v31 =	vld [tilespmem:$0x670]  }
0x45: {  	v32 =	vld [tilespmem:$0x80]  }
0x46: {  	v33 =	vld [tilespmem:$0x280]  }
0x47: {  	v34 =	vld [tilespmem:$0x480]  }
0x48: {  	v35 =	vld [tilespmem:$0x680]  }
0x49: {  	v36 =	vld [tilespmem:$0xA0];
	v0 =	vmul.u32 $0x960, v0;
	v1 =	vmul.u32 $0x18, v1;
	v2 =	vmul.u32 $0x6, v2  }
0x4a: {  	v38 =	vld [tilespmem:$0x2B0];
	v52 =	vmul.u32 $0x960, v4;
	v53 =	vmul.u32 $0x18, v5;
	v54 =	vmul.u32 $0x6, v6  }
0x4b: {  	v41 =	vld [tilespmem:$0x4B0];
	v55 =	vmul.u32 $0x960, v8;
	v56 =	vmul.u32 $0x18, v9;
	v10 =	vmul.u32 $0x6, v10  }
0x4c: {  	v46 =	vld [tilespmem:$0xC0];
	v12 =	vmul.u32 $0x960, v12;
	v13 =	vmul.u32 $0x18, v13;
	v58 =	vmul.u32 $0x6, v14  }
0x4d: {  	v47 =	vld [tilespmem:$0x2C0];
	v60 =	vmul.u32 $0x960, v16;
	v61 =	vmul.u32 $0x18, v17;
	v62 =	vmul.u32 $0x6, v18  }
0x4e: {  	v48 =	vld [tilespmem:$0x4C0];
	v63 =	vmul.u32 $0x960, v20;
	v37 =	vmul.u32 $0x18, v21;
	v39 =	vmul.u32 $0x960, v24  }
0x4f: {  	v5 =	vld [tilespmem:$0x90];
	v40 =	vmul.u32 $0x18, v25;
	v42 =	vmul.u32 $0x6, v22;
	v43 =	vmul.u32 $0x6, v26  }
0x50: {  	v9 =	vld [tilespmem:$0x690];
	v44 =	vmul.u32 $0x960, v28;
	v45 =	vmul.u32 $0x18, v29;
	v49 =	vmul.u32 $0x6, v30  }
0x51: {  	v8 =	vld [tilespmem:$0x2A0];
	v50 =	vmul.u32 $0x960, v32;
	v51 =	vmul.u32 $0x18, v33;
	v29 =	vmul.u32 $0x18, v38  }
0x52: {  	v14 =	vld [tilespmem:$0xB0];
	v32 =	vmul.u32 $0x18, v47;
	v0 =	vadd.s32 v0, v1;
	v1 =	vadd.s32 v52, v53  }
0x53: {  	v26 =	vld [tilespmem:$0x2E0];
	v57 =	vadd.s32 v55, v56;
	v59 =	vadd.s32 v12, v13;
	v12 =	vadd.s32 v63, v37  }
0x54: {  	v30 =	vld [tilespmem:$0x4E0];
	v17 =	vadd.s32 v44, v45;
	v53 =	vmul.u32 $0x6, v34;
	v55 =	vadd.s32 v50, v51  }
0x55: {  	v33 =	vld [tilespmem:$0xF0];
	v34 =	vmul.u32 $0x6, v41;
	v0 =	vadd.s32 v2, v0;
	v1 =	vadd.s32 v54, v1  }
0x56: {  	v13 =	vld [tilespmem:$0x6A0];
	v4 =	vadd.s32 v10, v57;
	v6 =	vadd.s32 v58, v59;
	v12 =	vadd.s32 v42, v12  }
0x57: {  	v56 =	vld [tilespmem:$0x2D0];
	v17 =	vadd.s32 v49, v17;
	v0 =	vadd.s32 v3, v0;
	v1 =	vadd.s32 v7, v1  }
0x58: {  	v63 =	vld [tilespmem:$0xE0];
	v4 =	vadd.s32 v11, v4;
	v6 =	vadd.s32 v15, v6;
	v7 =	vadd.s32 v60, v61  }
0x59: {  	v2 =	vld [tilespmem:$0x290];
	v11 =	vadd.s32 v39, v40;
	v12 =	vadd.s32 v23, v12;
	v57 =	vadd.s32 v31, v17  }
0x5a: {  	v10 =	vld [tilespmem:$0x4A0];
	v58 =	vadd.s32 v53, v55;
	v61 =	vmul.u32 $0x960, v36;
	v31 =	vmul.u32 $0x960, v46  }
0x5b: {  	v54 =	vld [tilespmem:$0xD0];
	v7 =	vadd.s32 v62, v7;
	v11 =	vadd.s32 v43, v11;
	v5 =	vmul.u32 $0x960, v5;
	[tilespmem:$0x800] =	vst v0  }
0x5c: {  	v3 =	vld [tilespmem:$0x490];
	[tilespmem:$0x810] =	vst v1;
	v62 =	vmul.u32 $0x18, v8;
	v20 =	vadd.s32 v35, v58;
	v28 =	vmul.u32 $0x960, v14  }
0x5d: {  	v59 =	vld [tilespmem:$0x4D0];
	[tilespmem:$0x820] =	vst v4;
	v35 =	vmul.u32 $0x6, v48;
	v48 =	vmul.u32 $0x18, v26;
	v50 =	vmul.u32 $0x6, v30  }
0x5e: {  	v45 =	vld [tilespmem:$0x6E0];
	[tilespmem:$0x830] =	vst v6;
	v51 =	vmul.u32 $0x960, v33;
	v7 =	vadd.s32 v19, v7;
	v11 =	vadd.s32 v27, v11  }
0x5f: {  	v52 =	vld [tilespmem:$0x6C0];
	[tilespmem:$0x840] =	vst v7;
	v7 =	vadd.s32 v31, v32;
	v38 =	vmul.u32 $0x18, v56;
	v47 =	vmul.u32 $0x960, v63  }
0x60: {  	v36 =	vld [tilespmem:$0x2F0];
	[tilespmem:$0x850] =	vst v12;
	v2 =	vmul.u32 $0x18, v2;
	v23 =	vmul.u32 $0x6, v10;
	v37 =	vmul.u32 $0x960, v54  }
0x61: {  	v39 =	vld [tilespmem:$0x4F0];
	[tilespmem:$0x870] =	vst v57;
	v42 =	vadd.s32 v35, v7;
	v3 =	vmul.u32 $0x6, v3;
	v53 =	vadd.s32 v47, v48  }
0x62: {  	v21 =	vld [tilespmem:$0x6B0];
	[tilespmem:$0x880] =	vst v20;
	v46 =	vmul.u32 $0x6, v59;
	v2 =	vadd.s32 v5, v2;
	v0 =	vadd.s32 v50, v53  }
0x63: {  	v43 =	vld [tilespmem:$0x6D0];
	[tilespmem:$0x860] =	vst v11;
	v60 =	vadd.s32 v3, v2;
	v2 =	vadd.s32 v61, v62;
	v0 =	vadd.s32 v45, v0  }
0x64: {  	v49 =	vld [tilespmem:$0x6F0];
	v3 =	vadd.s32 v28, v29;
	v1 =	vadd.s32 v9, v60;
	v2 =	vadd.s32 v23, v2;
	[tilespmem:$0x8E0] =	vst v0  }
0x65: {  	v41 =	vadd.s32 v34, v3;
	v3 =	vadd.s32 v52, v42;
	v52 =	vmul.u32 $0x18, v36;
	[tilespmem:$0x890] =	vst v1  }
0x66: {  	v54 =	vmul.u32 $0x6, v39;
	v44 =	vadd.s32 v37, v38;
	v40 =	vadd.s32 v13, v2;
	[tilespmem:$0x8C0] =	vst v3  }
0x67: {  	v2 =	vadd.s32 v21, v41;
	v1 =	vadd.s32 v46, v44;
	[tilespmem:$0x8A0] =	vst v40;
	v55 =	vadd.s32 v51, v52  }
0x68: {  	[tilespmem:$0x8B0] =	vst v2;
	v1 =	vadd.s32 v43, v1;
	v56 =	vadd.s32 v54, v55  }
0x69: {  	[tilespmem:$0x8D0] =	vst v1;
	v57 =	vadd.s32 v49, v56  }
0x6a: {  	[tilespmem:$0x8F0] =	vst v57  }
0x6b: {  	[tilespmem:s17], [sflag:$0x2] =	stream.indirect.gather [hbm4b:s3+s15], $0x1, s16, s15, $0xb8;
	[tilespmem:$0xC00] =	vst v63  }
0x6c: {  	v58 =	vld [tilespmem:$0x100]  }
0x6d: {  	v59 =	vld [tilespmem:$0x300]  }
0x6e: {  	v60 =	vld [tilespmem:$0x500]  }
0x6f: {  	v61 =	vld [tilespmem:$0x700]  }
0x70: {  	v62 =	vld [tilespmem:$0x110]  }
0x71: {  	v63 =	vld [tilespmem:$0x310]  }
0x72: {  	v36 =	vld [tilespmem:$0x510]  }
0x73: {  	v7 =	vld [tilespmem:$0x710]  }
0x74: {  	v37 =	vld [tilespmem:$0x120]  }
0x75: {  	v38 =	vld [tilespmem:$0x320]  }
0x76: {  	v39 =	vld [tilespmem:$0x520]  }
0x77: {  	v11 =	vld [tilespmem:$0x720]  }
0x78: {  	v40 =	vld [tilespmem:$0x130]  }
0x79: {  	v41 =	vld [tilespmem:$0x330]  }
0x7a: {  	v42 =	vld [tilespmem:$0x530]  }
0x7b: {  	v43 =	vld [tilespmem:$0x730]  }
0x7c: {  	v44 =	vld [tilespmem:$0x140]  }
0x7d: {  	v45 =	vld [tilespmem:$0x340]  }
0x7e: {  	v46 =	vld [tilespmem:$0x540]  }
0x7f: {  	v19 =	vld [tilespmem:$0x740]  }
0x80: {  	v47 =	vld [tilespmem:$0x150]  }
0x81: {  	v48 =	vld [tilespmem:$0x350]  }
0x82: {  	v49 =	vld [tilespmem:$0x550]  }
0x83: {  	v23 =	vld [tilespmem:$0x750]  }
0x84: {  	v50 =	vld [tilespmem:$0x160]  }
0x85: {  	v51 =	vld [tilespmem:$0x360]  }
0x86: {  	v52 =	vld [tilespmem:$0x560]  }
0x87: {  	v27 =	vld [tilespmem:$0x760]  }
0x88: {  	v53 =	vld [tilespmem:$0x170]  }
0x89: {  	v54 =	vld [tilespmem:$0x370]  }
0x8a: {  	v55 =	vld [tilespmem:$0x570]  }
0x8b: {  	v31 =	vld [tilespmem:$0x770]  }
0x8c: {  	v56 =	vld [tilespmem:$0x180]  }
0x8d: {  	v33 =	vld [tilespmem:$0x380]  }
0x8e: {  	v34 =	vld [tilespmem:$0x580]  }
0x8f: {  	v35 =	vld [tilespmem:$0x780]  }
0x90: {  	v5 =	vld [tilespmem:$0x190];
	v0 =	vmul.u32 $0x960, v58;
	v1 =	vmul.u32 $0x18, v59;
	v2 =	vmul.u32 $0x6, v60  }
0x91: {  	v3 =	vld [tilespmem:$0x590];
	v57 =	vmul.u32 $0x960, v62;
	v58 =	vmul.u32 $0x18, v63;
	v59 =	vmul.u32 $0x6, v36  }
0x92: {  	v8 =	vld [tilespmem:$0x3A0];
	v60 =	vmul.u32 $0x960, v37;
	v10 =	vmul.u32 $0x6, v39;
	v12 =	vmul.u32 $0x960, v40  }
0x93: {  	v9 =	vld [tilespmem:$0x790];
	v13 =	vmul.u32 $0x18, v41;
	v63 =	vmul.u32 $0x6, v42;
	v39 =	vmul.u32 $0x18, v45  }
0x94: {  	v21 =	vld [tilespmem:$0x7B0];
	v40 =	vmul.u32 $0x6, v46;
	v42 =	vmul.u32 $0x960, v47;
	v45 =	vmul.u32 $0x960, v50  }
0x95: {  	v30 =	vld [tilespmem:$0x1E0];
	v46 =	vmul.u32 $0x18, v51;
	v50 =	vmul.u32 $0x960, v53;
	v51 =	vmul.u32 $0x18, v54  }
0x96: {  	v36 =	vld [tilespmem:$0x1A0];
	v55 =	vmul.u32 $0x6, v55;
	v56 =	vmul.u32 $0x960, v56;
	v5 =	vmul.u32 $0x960, v5  }
0x97: {  	v37 =	vld [tilespmem:$0x5A0];
	v3 =	vmul.u32 $0x6, v3;
	v29 =	vmul.u32 $0x18, v8;
	v0 =	vadd.s32 v0, v1  }
0x98: {  	v41 =	vld [tilespmem:$0x1B0];
	v1 =	vadd.s32 v57, v58;
	v14 =	vadd.s32 v12, v13;
	v17 =	vadd.s32 v50, v51  }
0x99: {  	v47 =	vld [tilespmem:$0x5B0];
	v57 =	vmul.u32 $0x18, v33;
	v0 =	vadd.s32 v2, v0;
	v1 =	vadd.s32 v59, v1  }
0x9a: {  	v54 =	vld [tilespmem:$0x5C0];
	v6 =	vadd.s32 v63, v14;
	v59 =	vmul.u32 $0x6, v34;
	v17 =	vadd.s32 v55, v17  }
0x9b: {  	v53 =	vld [tilespmem:$0x3C0];
	v0 =	vadd.s32 v61, v0;
	v61 =	vmul.u32 $0x18, v38;
	v1 =	vadd.s32 v7, v1  }
0x9c: {  	v13 =	vld [tilespmem:$0x7A0];
	v38 =	vmul.u32 $0x960, v44;
	v6 =	vadd.s32 v43, v6;
	v43 =	vmul.u32 $0x18, v48  }
0x9d: {  	v58 =	vld [tilespmem:$0x7C0];
	v48 =	vmul.u32 $0x6, v49;
	v49 =	vmul.u32 $0x6, v52;
	v63 =	vadd.s32 v31, v17  }
0x9e: {  	v33 =	vld [tilespmem:$0x3E0];
	v28 =	vmul.u32 $0x960, v36;
	v32 =	vmul.u32 $0x6, v37;
	v34 =	vmul.u32 $0x960, v41  }
0x9f: {  	v2 =	vld [tilespmem:$0x390];
	v41 =	vmul.u32 $0x6, v54;
	v62 =	vadd.s32 v60, v61;
	v7 =	vadd.s32 v38, v39  }
0xa0: {  	v44 =	vld [tilespmem:$0x3B0];
	v12 =	vadd.s32 v42, v43;
	v61 =	vadd.s32 v56, v57;
	v38 =	vmul.u32 $0x18, v53  }
0xa1: {  	v52 =	vld [tilespmem:$0x1C0];
	v53 =	vmul.u32 $0x960, v30;
	v4 =	vadd.s32 v10, v62;
	v7 =	vadd.s32 v40, v7  }
0xa2: {  	[tilespmem:$0x900] =	vst v0;
	v36 =	vld [tilespmem:$0x5E0];
	v12 =	vadd.s32 v48, v12;
	v20 =	vadd.s32 v59, v61;
	v40 =	vmul.u32 $0x6, v47  }
0xa3: {  	[tilespmem:$0x910] =	vst v1;
	v60 =	vld [tilespmem:$0x1D0];
	v54 =	vmul.u32 $0x18, v33;
	v4 =	vadd.s32 v11, v4;
	v11 =	vadd.s32 v45, v46  }
0xa4: {  	[tilespmem:$0x930] =	vst v6;
	v39 =	vld [tilespmem:$0x1F0];
	v7 =	vadd.s32 v19, v7;
	v12 =	vadd.s32 v23, v12;
	v2 =	vmul.u32 $0x18, v2  }
0xa5: {  	[tilespmem:$0x970] =	vst v63;
	v62 =	vld [tilespmem:$0x3D0];
	v31 =	vadd.s32 v35, v20;
	v11 =	vadd.s32 v49, v11;
	v35 =	vmul.u32 $0x18, v44  }
0xa6: {  	v42 =	vld [tilespmem:$0x3F0];
	[tilespmem:$0x920] =	vst v4;
	v37 =	vmul.u32 $0x960, v52;
	v59 =	vadd.s32 v53, v54;
	v2 =	vadd.s32 v5, v2  }
0xa7: {  	v23 =	vld [tilespmem:$0x5D0];
	[tilespmem:$0x940] =	vst v7;
	v11 =	vadd.s32 v27, v11;
	v56 =	vmul.u32 $0x6, v36;
	v26 =	vadd.s32 v3, v2  }
0xa8: {  	v45 =	vld [tilespmem:$0x5F0];
	[tilespmem:$0x950] =	vst v12;
	v2 =	vadd.s32 v28, v29;
	v3 =	vadd.s32 v34, v35;
	v7 =	vadd.s32 v37, v38  }
0xa9: {  	v51 =	vld [tilespmem:$0x7E0];
	[tilespmem:$0x980] =	vst v31;
	v43 =	vmul.u32 $0x960, v60;
	v57 =	vmul.u32 $0x960, v39;
	v1 =	vadd.s32 v9, v26  }
0xaa: {  	v49 =	vld [tilespmem:$0x7D0];
	[tilespmem:$0x960] =	vst v11;
	v2 =	vadd.s32 v32, v2;
	v44 =	vmul.u32 $0x18, v62;
	v47 =	vadd.s32 v40, v3  }
0xab: {  	v55 =	vld [tilespmem:$0x7F0];
	v48 =	vadd.s32 v41, v7;
	v46 =	vadd.s32 v13, v2;
	v2 =	vadd.s32 v21, v47;
	[tilespmem:$0x990] =	vst v1  }
0xac: {  	v3 =	vadd.s32 v58, v48;
	v52 =	vmul.u32 $0x6, v23;
	v58 =	vmul.u32 $0x18, v42;
	[tilespmem:$0x9A0] =	vst v46  }
0xad: {  	v0 =	vadd.s32 v56, v59;
	v60 =	vmul.u32 $0x6, v45;
	v50 =	vadd.s32 v43, v44;
	[tilespmem:$0x9B0] =	vst v2  }
0xae: {  	v0 =	vadd.s32 v51, v0;
	[tilespmem:$0x9C0] =	vst v3;
	v1 =	vadd.s32 v52, v50;
	v61 =	vadd.s32 v57, v58  }
0xaf: {  	[tilespmem:$0x9E0] =	vst v0;
	v1 =	vadd.s32 v49, v1;
	v62 =	vadd.s32 v60, v61  }
0xb0: {  	[tilespmem:$0x9D0] =	vst v1;
	v63 =	vadd.s32 v55, v62  }
0xb1: {  	[tilespmem:$0x9F0] =	vst v63  }
0xb2: {  	[tilespmem:s19], [sflag:$0x3] =	stream.indirect.gather [hbm4b:s3+s15], $0x1, s18, s15, $0xb8;
	[tilespmem:$0xC00] =	vst v63  }
0xb3: {  	_ =	swait.ge [sflag:s20], $0x100  }
0xb4: {  	[sflag:s20] =	ssyncset.done $0x0  }
0xb5: {  	[sflag:s20] =	ssyncadd.s32 $0xFFFFFF00  }
0xb6: {  	[hbm4b:s6+s1] =	stream.linear.scatter [tilespmem:s17], [sflag:$0x1], $0x100, $0x38;
	[tilespmem:$0xC00] =	vst v63  }
0xb7: {  	_ =	swait.ge [sflag:s21], $0x100  }
0xb8: {  	[sflag:s21] =	ssyncset.done $0x0  }
0xb9: {  	[sflag:s21] =	ssyncadd.s32 $0xFFFFFF00  }
0xba: {  	[hbm4b:s9+s1] =	stream.linear.scatter [tilespmem:s19], [sflag:$0x1], $0x100, $0x38;
	[tilespmem:$0xC00] =	vst v63  }
0xbb: {  	p0 =	sne.s32 s10, $0x1;
	_ =	swait.ge [sflag:s14], $0x100  }
.Ltmp0:
0xbc: {  	[sflag:s14] =	ssyncset.done $0x0;
	(pc) =	sbr.rel @p0 .LBB2_1-.Ltmp0, $4  }
0xbd: {  	[sflag:s14] =	ssyncadd.s32 $0xFFFFFF00  }
0xbe: {  	_ =	swait.ge [sflag:s14], $0x100  }
0xbf: {  	[sflag:s14] =	ssyncset.done $0x0  }
0xc0: {  	s10 =	sadd.s32 $0xFFFFFFFF, s10;
	[sflag:s14] =	ssyncadd.s32 $0xFFFFFF00  }
0xc1: {  	_ =	sfence.sel $0x180000  }
0xc2: {  	[bflag:$0x0] =	sbarrier.arrive $0xFFFF  }
0xc3: {  	p0 =	sne.s32 s2, $0x0;
	_ =	strace $0x90000047  }
0xc4: {  	s0 =	sadd.s32 @!p0 $0x100000, s0;
	[bflag:$0x2] =	sbarrier.arrive $0xFFFF  }
0xc5: {  	[sflag:s0] =	ssyncadd.tile.s32 @!p0 $0x1;
	_ =	shalt  }
.Lfunc_end2:
_tile_overlayer_lowered:
.L_overlay_start_2:
0xc6: {  	(tag) =	ssettag $0x2  }
0xc7: {  	s0 =	rddreg [dreg:$0x0];
	s2 =	stileid.u32  }
0xc8: {  	s1 =	rddreg [dreg:$0x1];
	p0 =	sne.s32 s2, $0x0  }
0xc9: {  	s3 =	rddreg [dreg:$0x2];
	[bflag:$0x3] =	sbarrier.arrive $0xFFFF;
	s2 =	simm.s32 @!p0 $0x1C04  }
0xca: {  	[timem:s3], [sflag:s2] =	dma.local @!p0 [hbm:s0], s1  }
0xcb: {  	s0 =	simm.s32 @!p0 $0x4  }
0xcc: {  	_ =	swait.ge @!p0 [sflag:s0], s1  }
0xcd: {  	s1 =	ssub.s32 @!p0 $0x0, s1;
	[sflag:s0] =	ssyncset.done @!p0 $0x0  }
0xce: {  	[sflag:s0] =	ssyncadd.s32 @!p0 s1  }
0xcf: {  	[bflag:$0x3] =	sbarrier.arrive $0xFFFF  }
0xd0: {  	_ =	shalt  }

</sc_bundles>
